<compile_context>
chip_gen: v7x
topology: tpu7x:2x2x1
jax: 0.10.2.dev20260603
libtpu: 0.0.44.dev20260713+nightly
codegen_flags: <defaults>
</compile_context>

<pallas_src>
import functools

import jax
import jax.numpy as jnp
from jax import lax
from jax.experimental import pallas as pl
from jax.experimental.pallas import tpu as pltpu
from jax.experimental.pallas import tpu_sc as plsc

N_VOCAB = 49408
N_EMBD = 768
N_TOKENS = 77
BATCH = 1024

NC = 2
NS = 16
NW = NC * NS
SEQ_W = BATCH // NW
PT = 80
CH = 16
QN = PT // CH
NCHUNK = SEQ_W * QN
NBUF = 4
SB = 8


def _gather_body(idx_hbm, table_hbm, out_hbm,
                 idx_v, buf0, buf1, buf2, buf3,
                 gs0, gs1, gs2, gs3, ss0, ss1, ss2, ss3):
    bufs = (buf0, buf1, buf2, buf3)
    gsems = (gs0, gs1, gs2, gs3)
    ssems = (ss0, ss1, ss2, ss3)

    cid = lax.axis_index("c")
    sid = lax.axis_index("s")
    wid = sid * NC + cid
    seq0 = wid * SEQ_W

    pltpu.sync_copy(idx_hbm.at[wid], idx_v)

    def issue_gather(j, b):
        s = j // QN
        q = j - s * QN
        r0 = pl.multiple_of(q * CH, CH)
        iv = idx_v[s, pl.ds(r0, CH)]
        pltpu.async_copy(table_hbm.at[iv], bufs[b], gsems[b])

    def wait_gather(b):
        iv = idx_v[0, pl.ds(0, CH)]
        pltpu.make_async_copy(
            table_hbm.at[iv], bufs[b], gsems[b]).wait()

    def issue_store(j, b):
        s = j // QN
        q = j - s * QN
        r0 = pl.multiple_of(q * CH, CH)
        pltpu.async_copy(bufs[b], out_hbm.at[seq0 + s, pl.ds(r0, CH)],
                         ssems[b])

    def wait_store(b):
        pltpu.make_async_copy(
            bufs[b], out_hbm.at[0, pl.ds(0, CH)], ssems[b]).wait()

    issue_gather(0, 0)
    issue_gather(1, 1)

    def outer(jo, _):
        for b in range(NBUF):
            j = jo * NBUF + b
            wait_gather(b)
            issue_store(j, b)
            bk = (b + 2) % NBUF
            @pl.when(j >= 2)
            def _():
                wait_store(bk)

            @pl.when(j + 2 < NCHUNK)
            def _():
                issue_gather(j + 2, bk)
        return 0

    lax.fori_loop(0, NCHUNK // NBUF, outer, 0, unroll=False)

    for j in range(NCHUNK - 2, NCHUNK):
        wait_store(j % NBUF)


@functools.partial(
    pl.kernel,
    out_type=jax.ShapeDtypeStruct((BATCH, PT, N_EMBD), jnp.float32),
    mesh=plsc.VectorSubcoreMesh(core_axis_name="c", subcore_axis_name="s"),
    scratch_types=[
        pltpu.VMEM((SEQ_W, PT), jnp.int32),
        pltpu.VMEM((CH, N_EMBD), jnp.float32),
        pltpu.VMEM((CH, N_EMBD), jnp.float32),
        pltpu.VMEM((CH, N_EMBD), jnp.float32),
        pltpu.VMEM((CH, N_EMBD), jnp.float32),
        pltpu.SemaphoreType.DMA,
        pltpu.SemaphoreType.DMA,
        pltpu.SemaphoreType.DMA,
        pltpu.SemaphoreType.DMA,
        pltpu.SemaphoreType.DMA,
        pltpu.SemaphoreType.DMA,
        pltpu.SemaphoreType.DMA,
        pltpu.SemaphoreType.DMA,
    ],
)
def _gather_kernel(idx_hbm, table_hbm, out_hbm, *scratch):
    _gather_body(idx_hbm, table_hbm, out_hbm, *scratch)


def _add_pos_body(s_ref, p_ref, o_ref):
    o_ref[...] = s_ref[:, :N_TOKENS, :] + p_ref[...][None, :, :]


_add_pos_tc = pl.pallas_call(
    _add_pos_body,
    grid=(BATCH // SB,),
    in_specs=[
        pl.BlockSpec((SB, PT, N_EMBD), lambda i: (i, 0, 0)),
        pl.BlockSpec((N_TOKENS, N_EMBD), lambda i: (0, 0)),
    ],
    out_specs=pl.BlockSpec((SB, N_TOKENS, N_EMBD), lambda i: (i, 0, 0)),
    out_shape=jax.ShapeDtypeStruct((BATCH, N_TOKENS, N_EMBD), jnp.float32),
)


def kernel(tokens, token_embedding, position_embedding):
    tok = jnp.pad(jnp.asarray(tokens, jnp.int32),
                  ((0, 0), (0, PT - N_TOKENS)))
    idx = tok.reshape(NW, SEQ_W, PT)
    scratch = _gather_kernel(idx, token_embedding)
    return _add_pos_tc(scratch, position_embedding)

# --- scband reference (transcript-rebuilt; emitter-appended) ---
"""Pipeline reference for scband-clipembedding-26603027431588 (READ-ONLY COPY).

The authoritative reference and input builder live on the scoring server;
editing this copy changes nothing except your own understanding.
"""

import jax, jax.numpy as jnp
import numpy as np

N_VOCAB = 49408
N_EMBD = 768
N_TOKENS = 77
BATCH = 1024

def setup_inputs(seed: int = 0) -> dict:
    key = jax.random.key(seed)
    k1, k2, k3 = jax.random.split(key, 3)
    tokens = jax.random.randint(k1, (BATCH, N_TOKENS), 0, N_VOCAB, dtype=jnp.int64 if jax.config.jax_enable_x64 else jnp.int32)
    token_embedding = jax.random.normal(k2, (N_VOCAB, N_EMBD), dtype=jnp.float32) * 0.02
    # Original module initializes position embedding to zeros (nn.Parameter(torch.zeros(...)))
    position_embedding = jnp.zeros((N_TOKENS, N_EMBD), dtype=jnp.float32)
    return {"tokens": tokens, "token_embedding": token_embedding, "position_embedding": position_embedding}

def reference(tokens, token_embedding, position_embedding):
    # x = self.token_embedding(tokens)
    x = jnp.take(token_embedding, tokens, axis=0)  # [B, T, D]
    # x += self.position_embedding  (broadcast [T, D] over batch)
    x = x + position_embedding
    return x

if __name__ == "__main__":
    import jax
    _d = setup_inputs()
    print(jax.jit(kernel)(*tuple(_d.values())))

</pallas_src>

<mosaic_0001>
#map = affine_map<(d0, d1) -> (0, 0, 0)>
#map1 = affine_map<(d0, d1) -> (0, 0)>
module attributes {stable_mosaic.version = 14 : i64} {
  func.func @_gather_kernel(%arg0: i32, %arg1: i32, %arg2: memref<32x32x80xi32, #tpu.memory_space<hbm>>, %arg3: memref<49408x768xf32, #tpu.memory_space<hbm>>, %arg4: memref<1024x80x768xf32, #tpu.memory_space<hbm>>, %arg5: memref<32x80xi32, #tpu.memory_space<vmem>>, %arg6: memref<16x768xf32, #tpu.memory_space<vmem>>, %arg7: memref<16x768xf32, #tpu.memory_space<vmem>>, %arg8: memref<16x768xf32, #tpu.memory_space<vmem>>, %arg9: memref<16x768xf32, #tpu.memory_space<vmem>>, %arg10: memref<!tpu.dma_semaphore, #tpu.memory_space<semaphore_mem>>, %arg11: memref<!tpu.dma_semaphore, #tpu.memory_space<semaphore_mem>>, %arg12: memref<!tpu.dma_semaphore, #tpu.memory_space<semaphore_mem>>, %arg13: memref<!tpu.dma_semaphore, #tpu.memory_space<semaphore_mem>>, %arg14: memref<!tpu.dma_semaphore, #tpu.memory_space<semaphore_mem>>, %arg15: memref<!tpu.dma_semaphore, #tpu.memory_space<semaphore_mem>>, %arg16: memref<!tpu.dma_semaphore, #tpu.memory_space<semaphore_mem>>, %arg17: memref<!tpu.dma_semaphore, #tpu.memory_space<semaphore_mem>>) attributes {dimension_semantics = [#tpu.dimension_semantics<core_parallel>, #tpu.dimension_semantics<subcore_parallel>], iteration_bounds = array<i64: 2, 16>, scalar_prefetch = 0 : i64, scratch_operands = 13 : i64, tpu.core_type = #tpu.core_type<sc_vector_subcore>, window_params = [{transform_indices = #map}, {transform_indices = #map1}, {transform_indices = #map}]} {
    %mul3A = arith.constant 2 : i32
    %mul3A_0 = arith.muli %arg1, %mul3A : i32
    %add3A = arith.addi %mul3A_0, %arg0 : i32
    %mul3A_1 = arith.constant 32 : i32
    %mul3A_2 = arith.muli %add3A, %mul3A_1 : i32
    "tpu.region"() ({
      %run_scoped3A = tpu.sem_alloc : memref<!tpu.dma_semaphore, #tpu.memory_space<semaphore_mem>>
      %dma_start3A_43 = arith.constant 0 : i32
      %dma_start3A_44 = arith.constant 0 : i32
      %dma_start3A_45 = tpu.memref_slice %arg2[%add3A, %dma_start3A_43, %dma_start3A_44] : memref<32x32x80xi32, #tpu.memory_space<hbm>> -> memref<1x32x80xi32, #tpu.memory_space<hbm>>
      %dma_start3A_46 = tpu.memref_squeeze %dma_start3A_45 : memref<1x32x80xi32, #tpu.memory_space<hbm>> -> memref<32x80xi32, #tpu.memory_space<hbm>>
      %dma_start3A_47 = arith.constant 0 : i32
      %dma_start3A_48 = arith.constant 0 : i32
      %dma_start3A_49 = tpu.memref_slice %arg2[%add3A, %dma_start3A_47, %dma_start3A_48] : memref<32x32x80xi32, #tpu.memory_space<hbm>> -> memref<1x32x80xi32, #tpu.memory_space<hbm>>
      %dma_start3A_50 = tpu.memref_squeeze %dma_start3A_49 : memref<1x32x80xi32, #tpu.memory_space<hbm>> -> memref<32x80xi32, #tpu.memory_space<hbm>>
      tpu.enqueue_dma source(%dma_start3A_50 : memref<32x80xi32, #tpu.memory_space<hbm>>) target(%arg5 : memref<32x80xi32, #tpu.memory_space<vmem>>) target_semaphore(%run_scoped3A : memref<!tpu.dma_semaphore, #tpu.memory_space<semaphore_mem>>)
      %dma_wait3A_51 = arith.constant 0 : i32
      %dma_wait3A_52 = arith.constant 0 : i32
      %dma_wait3A_53 = tpu.memref_slice %arg2[%add3A, %dma_wait3A_51, %dma_wait3A_52] : memref<32x32x80xi32, #tpu.memory_space<hbm>> -> memref<1x32x80xi32, #tpu.memory_space<hbm>>
      %dma_wait3A_54 = tpu.memref_squeeze %dma_wait3A_53 : memref<1x32x80xi32, #tpu.memory_space<hbm>> -> memref<32x80xi32, #tpu.memory_space<hbm>>
      %dma_wait3A_55 = arith.constant 0 : i32
      %dma_wait3A_56 = arith.constant 0 : i32
      %dma_wait3A_57 = tpu.memref_slice %arg2[%add3A, %dma_wait3A_55, %dma_wait3A_56] : memref<32x32x80xi32, #tpu.memory_space<hbm>> -> memref<1x32x80xi32, #tpu.memory_space<hbm>>
      %dma_wait3A_58 = tpu.memref_squeeze %dma_wait3A_57 : memref<1x32x80xi32, #tpu.memory_space<hbm>> -> memref<32x80xi32, #tpu.memory_space<hbm>>
      tpu.wait_dma2 semaphore(%run_scoped3A : memref<!tpu.dma_semaphore, #tpu.memory_space<semaphore_mem>>) src(%dma_wait3A_58 : memref<32x80xi32, #tpu.memory_space<hbm>>) dst(%arg5 : memref<32x80xi32, #tpu.memory_space<vmem>>)
      tpu.yield
    }) : () -> ()
    %multiple_of3A = arith.constant 0 : i32
    %multiple_of3A_3 = tpu.assume_multiple %multiple_of3A, 16 : i32
    %get3A = arith.constant 0 : i32
    %get3A_4 = arith.index_cast %get3A : i32 to index
    %get3A_5 = arith.index_cast %multiple_of3A_3 : i32 to index
    %get3A_6 = tpu.vector_load %arg5[%get3A_4, %get3A_5] {strides = array<i32>} : memref<32x80xi32, #tpu.memory_space<vmem>>, vector<1x16xi32>,
    %get3A_7 = vector.shape_cast %get3A_6 : vector<1x16xi32> to vector<16xi32>
    %dma_start3A = arith.constant 0 : i32
    %dma_start3A_8 = arith.constant 0 : i32
    %dma_start3A_9 = tpu.memref_slice %arg3[%dma_start3A, %dma_start3A_8] : memref<49408x768xf32, #tpu.memory_space<hbm>> -> memref<49408x768xf32, #tpu.memory_space<hbm>>
    tpu.enqueue_indirect_dma source(%dma_start3A_9 : memref<49408x768xf32, #tpu.memory_space<hbm>>) target(%arg6 : memref<16x768xf32, #tpu.memory_space<vmem>>) offsets(%get3A_7 : vector<16xi32>) semaphore(%arg10 : memref<!tpu.dma_semaphore, #tpu.memory_space<semaphore_mem>>)
    %multiple_of3A_10 = arith.constant 16 : i32
    %multiple_of3A_11 = tpu.assume_multiple %multiple_of3A_10, 16 : i32
    %get3A_12 = arith.constant 0 : i32
    %get3A_13 = arith.index_cast %get3A_12 : i32 to index
    %get3A_14 = arith.index_cast %multiple_of3A_11 : i32 to index
    %get3A_15 = tpu.vector_load %arg5[%get3A_13, %get3A_14] {strides = array<i32>} : memref<32x80xi32, #tpu.memory_space<vmem>>, vector<1x16xi32>,
    %get3A_16 = vector.shape_cast %get3A_15 : vector<1x16xi32> to vector<16xi32>
    %dma_start3A_17 = arith.constant 0 : i32
    %dma_start3A_18 = arith.constant 0 : i32
    %dma_start3A_19 = tpu.memref_slice %arg3[%dma_start3A_17, %dma_start3A_18] : memref<49408x768xf32, #tpu.memory_space<hbm>> -> memref<49408x768xf32, #tpu.memory_space<hbm>>
    tpu.enqueue_indirect_dma source(%dma_start3A_19 : memref<49408x768xf32, #tpu.memory_space<hbm>>) target(%arg7 : memref<16x768xf32, #tpu.memory_space<vmem>>) offsets(%get3A_16 : vector<16xi32>) semaphore(%arg11 : memref<!tpu.dma_semaphore, #tpu.memory_space<semaphore_mem>>)
    %scan3A = arith.constant 0 : i32
    %scan3A_20 = arith.constant 0 : i32
    %scan3A_21 = arith.constant 40 : i32
    %scan3A_22 = arith.addi %scan3A_20, %scan3A_21 : i32
    %scan3A_23 = arith.constant 1 : i32
    %scan3A_24 = scf.for %scan3A_43 = %scan3A_20 to %scan3A_22 step %scan3A_23 iter_args(%scan3A_44 = %scan3A) -> (i32)  : i32 {
      %mul3A_45 = arith.constant 4 : i32
      %mul3A_46 = arith.muli %scan3A_43, %mul3A_45 : i32
      %add3A_47 = arith.constant 0 : i32
      %add3A_48 = arith.addi %mul3A_46, %add3A_47 : i32
      %get3A_49 = arith.constant 0 : i32
      %get3A_50 = arith.index_cast %get3A_49 : i32 to index
      %get3A_51 = arith.constant 0 : index
      %get3A_52 = tpu.vector_load %arg5[%get3A_50, %get3A_51] {strides = array<i32>} : memref<32x80xi32, #tpu.memory_space<vmem>>, vector<1x16xi32>,
      %get3A_53 = vector.shape_cast %get3A_52 : vector<1x16xi32> to vector<16xi32>
      %dma_wait3A_54 = arith.constant 0 : i32
      %dma_wait3A_55 = arith.constant 0 : i32
      %dma_wait3A_56 = tpu.memref_slice %arg3[%dma_wait3A_54, %dma_wait3A_55] : memref<49408x768xf32, #tpu.memory_space<hbm>> -> memref<49408x768xf32, #tpu.memory_space<hbm>>
      tpu.wait_indirect_dma semaphore(%arg10 : memref<!tpu.dma_semaphore, #tpu.memory_space<semaphore_mem>>) src(%dma_wait3A_56 : memref<49408x768xf32, #tpu.memory_space<hbm>>) dst(%arg6 : memref<16x768xf32, #tpu.memory_space<vmem>>)
      %jit3A = arith.constant 5 : i32
      %div3A = arith.divsi %add3A_48, %jit3A : i32
      %sign3A = arith.constant 0 : i32
      %sign3A_57 = arith.cmpi sgt, %add3A_48, %sign3A : i32
      %sign3A_58 = arith.extui %sign3A_57 : i1 to i32
      %sign3A_59 = arith.constant 0 : i32
      %sign3A_60 = arith.cmpi slt, %add3A_48, %sign3A_59 : i32
      %sign3A_61 = arith.extui %sign3A_60 : i1 to i32
      %sign3A_62 = arith.subi %sign3A_58, %sign3A_61 : i32
      %sign3A_63 = arith.constant 0 : i32
      %sign3A_64 = arith.cmpi sgt, %jit3A, %sign3A_63 : i32
      %sign3A_65 = arith.extui %sign3A_64 : i1 to i32
      %sign3A_66 = arith.constant 0 : i32
      %sign3A_67 = arith.cmpi slt, %jit3A, %sign3A_66 : i32
      %sign3A_68 = arith.extui %sign3A_67 : i1 to i32
      %sign3A_69 = arith.subi %sign3A_65, %sign3A_68 : i32
      %ne3A = arith.cmpi ne, %sign3A_62, %sign3A_69 : i32
      %rem3A = arith.remsi %add3A_48, %jit3A : i32
      %ne3A_70 = arith.constant 0 : i32
      %ne3A_71 = arith.cmpi ne, %rem3A, %ne3A_70 : i32
      %and3A = arith.andi %ne3A, %ne3A_71 : i1
      %sub3A = arith.constant 1 : i32
      %sub3A_72 = arith.subi %div3A, %sub3A : i32
      %select_n3A = arith.select %and3A, %sub3A_72, %div3A : i32
      %mul3A_73 = arith.constant 5 : i32
      %mul3A_74 = arith.muli %select_n3A, %mul3A_73 : i32
      %sub3A_75 = arith.subi %add3A_48, %mul3A_74 : i32
      %mul3A_76 = arith.constant 16 : i32
      %mul3A_77 = arith.muli %sub3A_75, %mul3A_76 : i32
      %multiple_of3A_78 = tpu.assume_multiple %mul3A_77, 16 : i32
      %add3A_79 = arith.addi %mul3A_2, %select_n3A : i32
      %dma_start3A_80 = arith.constant 0 : i32
      %dma_start3A_81 = tpu.memref_slice %arg4[%add3A_79, %multiple_of3A_78, %dma_start3A_80] : memref<1024x80x768xf32, #tpu.memory_space<hbm>> -> memref<1x16x768xf32, #tpu.memory_space<hbm>>
      %dma_start3A_82 = tpu.memref_squeeze %dma_start3A_81 : memref<1x16x768xf32, #tpu.memory_space<hbm>> -> memref<16x768xf32, #tpu.memory_space<hbm>>
      %dma_start3A_83 = arith.constant 0 : i32
      %dma_start3A_84 = tpu.memref_slice %arg4[%add3A_79, %multiple_of3A_78, %dma_start3A_83] : memref<1024x80x768xf32, #tpu.memory_space<hbm>> -> memref<1x16x768xf32, #tpu.memory_space<hbm>>
      %dma_start3A_85 = tpu.memref_squeeze %dma_start3A_84 : memref<1x16x768xf32, #tpu.memory_space<hbm>> -> memref<16x768xf32, #tpu.memory_space<hbm>>
      tpu.enqueue_dma source(%arg6 : memref<16x768xf32, #tpu.memory_space<vmem>>) target(%dma_start3A_85 : memref<16x768xf32, #tpu.memory_space<hbm>>) target_semaphore(%arg14 : memref<!tpu.dma_semaphore, #tpu.memory_space<semaphore_mem>>)
      %ge3A = arith.constant 2 : i32
      %ge3A_86 = arith.cmpi sge, %add3A_48, %ge3A : i32
      %convert_element_type3A = arith.extui %ge3A_86 : i1 to i32
      %cond3A = arith.constant 0 : i32
      %cond3A_87 = arith.cmpi ne, %convert_element_type3A, %cond3A : i32
      scf.if %cond3A_87 {
        %dma_wait3A_278 = arith.constant 0 : i32
        %dma_wait3A_279 = arith.constant 0 : i32
        %dma_wait3A_280 = arith.constant 0 : i32
        %dma_wait3A_281 = tpu.memref_slice %arg4[%dma_wait3A_278, %dma_wait3A_279, %dma_wait3A_280] : memref<1024x80x768xf32, #tpu.memory_space<hbm>> -> memref<1x16x768xf32, #tpu.memory_space<hbm>>
        %dma_wait3A_282 = tpu.memref_squeeze %dma_wait3A_281 : memref<1x16x768xf32, #tpu.memory_space<hbm>> -> memref<16x768xf32, #tpu.memory_space<hbm>>
        %dma_wait3A_283 = arith.constant 0 : i32
        %dma_wait3A_284 = arith.constant 0 : i32
        %dma_wait3A_285 = tpu.memref_slice %arg4[%dma_wait3A_278, %dma_wait3A_283, %dma_wait3A_284] : memref<1024x80x768xf32, #tpu.memory_space<hbm>> -> memref<1x16x768xf32, #tpu.memory_space<hbm>>
        %dma_wait3A_286 = tpu.memref_squeeze %dma_wait3A_285 : memref<1x16x768xf32, #tpu.memory_space<hbm>> -> memref<16x768xf32, #tpu.memory_space<hbm>>
        tpu.wait_dma2 semaphore(%arg16 : memref<!tpu.dma_semaphore, #tpu.memory_space<semaphore_mem>>) src(%arg8 : memref<16x768xf32, #tpu.memory_space<vmem>>) dst(%dma_wait3A_286 : memref<16x768xf32, #tpu.memory_space<hbm>>)
      } else {
      }
      %add3A_88 = arith.constant 2 : i32
      %add3A_89 = arith.addi %add3A_48, %add3A_88 : i32
      %lt3A = arith.constant 160 : i32
      %lt3A_90 = arith.cmpi slt, %add3A_89, %lt3A : i32
      %convert_element_type3A_91 = arith.extui %lt3A_90 : i1 to i32
      %cond3A_92 = arith.constant 0 : i32
      %cond3A_93 = arith.cmpi ne, %convert_element_type3A_91, %cond3A_92 : i32
      scf.if %cond3A_93 {
        %add3A_278 = arith.constant 2 : i32
        %add3A_279 = arith.addi %add3A_48, %add3A_278 : i32
        %jit3A_280 = arith.constant 5 : i32
        %div3A_281 = arith.divsi %add3A_279, %jit3A_280 : i32
        %sign3A_282 = arith.constant 0 : i32
        %sign3A_283 = arith.cmpi sgt, %add3A_279, %sign3A_282 : i32
        %sign3A_284 = arith.extui %sign3A_283 : i1 to i32
        %sign3A_285 = arith.constant 0 : i32
        %sign3A_286 = arith.cmpi slt, %add3A_279, %sign3A_285 : i32
        %sign3A_287 = arith.extui %sign3A_286 : i1 to i32
        %sign3A_288 = arith.subi %sign3A_284, %sign3A_287 : i32
        %sign3A_289 = arith.constant 0 : i32
        %sign3A_290 = arith.cmpi sgt, %jit3A_280, %sign3A_289 : i32
        %sign3A_291 = arith.extui %sign3A_290 : i1 to i32
        %sign3A_292 = arith.constant 0 : i32
        %sign3A_293 = arith.cmpi slt, %jit3A_280, %sign3A_292 : i32
        %sign3A_294 = arith.extui %sign3A_293 : i1 to i32
        %sign3A_295 = arith.subi %sign3A_291, %sign3A_294 : i32
        %ne3A_296 = arith.cmpi ne, %sign3A_288, %sign3A_295 : i32
        %rem3A_297 = arith.remsi %add3A_279, %jit3A_280 : i32
        %ne3A_298 = arith.constant 0 : i32
        %ne3A_299 = arith.cmpi ne, %rem3A_297, %ne3A_298 : i32
        %and3A_300 = arith.andi %ne3A_296, %ne3A_299 : i1
        %sub3A_301 = arith.constant 1 : i32
        %sub3A_302 = arith.subi %div3A_281, %sub3A_301 : i32
        %select_n3A_303 = arith.select %and3A_300, %sub3A_302, %div3A_281 : i32
        %mul3A_304 = arith.constant 5 : i32
        %mul3A_305 = arith.muli %select_n3A_303, %mul3A_304 : i32
        %sub3A_306 = arith.subi %add3A_279, %mul3A_305 : i32
        %mul3A_307 = arith.constant 16 : i32
        %mul3A_308 = arith.muli %sub3A_306, %mul3A_307 : i32
        %multiple_of3A_309 = tpu.assume_multiple %mul3A_308, 16 : i32
        %get3A_310 = arith.index_cast %select_n3A_303 : i32 to index
        %get3A_311 = arith.index_cast %multiple_of3A_309 : i32 to index
        %get3A_312 = tpu.vector_load %arg5[%get3A_310, %get3A_311] {strides = array<i32>} : memref<32x80xi32, #tpu.memory_space<vmem>>, vector<1x16xi32>,
        %get3A_313 = vector.shape_cast %get3A_312 : vector<1x16xi32> to vector<16xi32>
        %dma_start3A_314 = arith.constant 0 : i32
        %dma_start3A_315 = arith.constant 0 : i32
        %dma_start3A_316 = tpu.memref_slice %arg3[%dma_start3A_314, %dma_start3A_315] : memref<49408x768xf32, #tpu.memory_space<hbm>> -> memref<49408x768xf32, #tpu.memory_space<hbm>>
        tpu.enqueue_indirect_dma source(%dma_start3A_316 : memref<49408x768xf32, #tpu.memory_space<hbm>>) target(%arg8 : memref<16x768xf32, #tpu.memory_space<vmem>>) offsets(%get3A_313 : vector<16xi32>) semaphore(%arg12 : memref<!tpu.dma_semaphore, #tpu.memory_space<semaphore_mem>>)
      } else {
      }
      %mul3A_94 = arith.constant 4 : i32
      %mul3A_95 = arith.muli %scan3A_43, %mul3A_94 : i32
      %add3A_96 = arith.constant 1 : i32
      %add3A_97 = arith.addi %mul3A_95, %add3A_96 : i32
      %get3A_98 = arith.constant 0 : i32
      %get3A_99 = arith.index_cast %get3A_98 : i32 to index
      %get3A_100 = arith.constant 0 : index
      %get3A_101 = tpu.vector_load %arg5[%get3A_99, %get3A_100] {strides = array<i32>} : memref<32x80xi32, #tpu.memory_space<vmem>>, vector<1x16xi32>,
      %get3A_102 = vector.shape_cast %get3A_101 : vector<1x16xi32> to vector<16xi32>
      %dma_wait3A_103 = arith.constant 0 : i32
      %dma_wait3A_104 = arith.constant 0 : i32
      %dma_wait3A_105 = tpu.memref_slice %arg3[%dma_wait3A_103, %dma_wait3A_104] : memref<49408x768xf32, #tpu.memory_space<hbm>> -> memref<49408x768xf32, #tpu.memory_space<hbm>>
      tpu.wait_indirect_dma semaphore(%arg11 : memref<!tpu.dma_semaphore, #tpu.memory_space<semaphore_mem>>) src(%dma_wait3A_105 : memref<49408x768xf32, #tpu.memory_space<hbm>>) dst(%arg7 : memref<16x768xf32, #tpu.memory_space<vmem>>)
      %jit3A_106 = arith.constant 5 : i32
      %div3A_107 = arith.divsi %add3A_97, %jit3A_106 : i32
      %sign3A_108 = arith.constant 0 : i32
      %sign3A_109 = arith.cmpi sgt, %add3A_97, %sign3A_108 : i32
      %sign3A_110 = arith.extui %sign3A_109 : i1 to i32
      %sign3A_111 = arith.constant 0 : i32
      %sign3A_112 = arith.cmpi slt, %add3A_97, %sign3A_111 : i32
      %sign3A_113 = arith.extui %sign3A_112 : i1 to i32
      %sign3A_114 = arith.subi %sign3A_110, %sign3A_113 : i32
      %sign3A_115 = arith.constant 0 : i32
      %sign3A_116 = arith.cmpi sgt, %jit3A_106, %sign3A_115 : i32
      %sign3A_117 = arith.extui %sign3A_116 : i1 to i32
      %sign3A_118 = arith.constant 0 : i32
      %sign3A_119 = arith.cmpi slt, %jit3A_106, %sign3A_118 : i32
      %sign3A_120 = arith.extui %sign3A_119 : i1 to i32
      %sign3A_121 = arith.subi %sign3A_117, %sign3A_120 : i32
      %ne3A_122 = arith.cmpi ne, %sign3A_114, %sign3A_121 : i32
      %rem3A_123 = arith.remsi %add3A_97, %jit3A_106 : i32
      %ne3A_124 = arith.constant 0 : i32
      %ne3A_125 = arith.cmpi ne, %rem3A_123, %ne3A_124 : i32
      %and3A_126 = arith.andi %ne3A_122, %ne3A_125 : i1
      %sub3A_127 = arith.constant 1 : i32
      %sub3A_128 = arith.subi %div3A_107, %sub3A_127 : i32
      %select_n3A_129 = arith.select %and3A_126, %sub3A_128, %div3A_107 : i32
      %mul3A_130 = arith.constant 5 : i32
      %mul3A_131 = arith.muli %select_n3A_129, %mul3A_130 : i32
      %sub3A_132 = arith.subi %add3A_97, %mul3A_131 : i32
      %mul3A_133 = arith.constant 16 : i32
      %mul3A_134 = arith.muli %sub3A_132, %mul3A_133 : i32
      %multiple_of3A_135 = tpu.assume_multiple %mul3A_134, 16 : i32
      %add3A_136 = arith.addi %mul3A_2, %select_n3A_129 : i32
      %dma_start3A_137 = arith.constant 0 : i32
      %dma_start3A_138 = tpu.memref_slice %arg4[%add3A_136, %multiple_of3A_135, %dma_start3A_137] : memref<1024x80x768xf32, #tpu.memory_space<hbm>> -> memref<1x16x768xf32, #tpu.memory_space<hbm>>
      %dma_start3A_139 = tpu.memref_squeeze %dma_start3A_138 : memref<1x16x768xf32, #tpu.memory_space<hbm>> -> memref<16x768xf32, #tpu.memory_space<hbm>>
      %dma_start3A_140 = arith.constant 0 : i32
      %dma_start3A_141 = tpu.memref_slice %arg4[%add3A_136, %multiple_of3A_135, %dma_start3A_140] : memref<1024x80x768xf32, #tpu.memory_space<hbm>> -> memref<1x16x768xf32, #tpu.memory_space<hbm>>
      %dma_start3A_142 = tpu.memref_squeeze %dma_start3A_141 : memref<1x16x768xf32, #tpu.memory_space<hbm>> -> memref<16x768xf32, #tpu.memory_space<hbm>>
      tpu.enqueue_dma source(%arg7 : memref<16x768xf32, #tpu.memory_space<vmem>>) target(%dma_start3A_142 : memref<16x768xf32, #tpu.memory_space<hbm>>) target_semaphore(%arg15 : memref<!tpu.dma_semaphore, #tpu.memory_space<semaphore_mem>>)
      %ge3A_143 = arith.constant 2 : i32
      %ge3A_144 = arith.cmpi sge, %add3A_97, %ge3A_143 : i32
      %convert_element_type3A_145 = arith.extui %ge3A_144 : i1 to i32
      %cond3A_146 = arith.constant 0 : i32
      %cond3A_147 = arith.cmpi ne, %convert_element_type3A_145, %cond3A_146 : i32
      scf.if %cond3A_147 {
        %dma_wait3A_278 = arith.constant 0 : i32
        %dma_wait3A_279 = arith.constant 0 : i32
        %dma_wait3A_280 = arith.constant 0 : i32
        %dma_wait3A_281 = tpu.memref_slice %arg4[%dma_wait3A_278, %dma_wait3A_279, %dma_wait3A_280] : memref<1024x80x768xf32, #tpu.memory_space<hbm>> -> memref<1x16x768xf32, #tpu.memory_space<hbm>>
        %dma_wait3A_282 = tpu.memref_squeeze %dma_wait3A_281 : memref<1x16x768xf32, #tpu.memory_space<hbm>> -> memref<16x768xf32, #tpu.memory_space<hbm>>
        %dma_wait3A_283 = arith.constant 0 : i32
        %dma_wait3A_284 = arith.constant 0 : i32
        %dma_wait3A_285 = tpu.memref_slice %arg4[%dma_wait3A_278, %dma_wait3A_283, %dma_wait3A_284] : memref<1024x80x768xf32, #tpu.memory_space<hbm>> -> memref<1x16x768xf32, #tpu.memory_space<hbm>>
        %dma_wait3A_286 = tpu.memref_squeeze %dma_wait3A_285 : memref<1x16x768xf32, #tpu.memory_space<hbm>> -> memref<16x768xf32, #tpu.memory_space<hbm>>
        tpu.wait_dma2 semaphore(%arg17 : memref<!tpu.dma_semaphore, #tpu.memory_space<semaphore_mem>>) src(%arg9 : memref<16x768xf32, #tpu.memory_space<vmem>>) dst(%dma_wait3A_286 : memref<16x768xf32, #tpu.memory_space<hbm>>)
      } else {
      }
      %add3A_148 = arith.constant 2 : i32
      %add3A_149 = arith.addi %add3A_97, %add3A_148 : i32
      %lt3A_150 = arith.constant 160 : i32
      %lt3A_151 = arith.cmpi slt, %add3A_149, %lt3A_150 : i32
      %convert_element_type3A_152 = arith.extui %lt3A_151 : i1 to i32
      %cond3A_153 = arith.constant 0 : i32
      %cond3A_154 = arith.cmpi ne, %convert_element_type3A_152, %cond3A_153 : i32
      scf.if %cond3A_154 {
        %add3A_278 = arith.constant 2 : i32
        %add3A_279 = arith.addi %add3A_97, %add3A_278 : i32
        %jit3A_280 = arith.constant 5 : i32
        %div3A_281 = arith.divsi %add3A_279, %jit3A_280 : i32
        %sign3A_282 = arith.constant 0 : i32
        %sign3A_283 = arith.cmpi sgt, %add3A_279, %sign3A_282 : i32
        %sign3A_284 = arith.extui %sign3A_283 : i1 to i32
        %sign3A_285 = arith.constant 0 : i32
        %sign3A_286 = arith.cmpi slt, %add3A_279, %sign3A_285 : i32
        %sign3A_287 = arith.extui %sign3A_286 : i1 to i32
        %sign3A_288 = arith.subi %sign3A_284, %sign3A_287 : i32
        %sign3A_289 = arith.constant 0 : i32
        %sign3A_290 = arith.cmpi sgt, %jit3A_280, %sign3A_289 : i32
        %sign3A_291 = arith.extui %sign3A_290 : i1 to i32
        %sign3A_292 = arith.constant 0 : i32
        %sign3A_293 = arith.cmpi slt, %jit3A_280, %sign3A_292 : i32
        %sign3A_294 = arith.extui %sign3A_293 : i1 to i32
        %sign3A_295 = arith.subi %sign3A_291, %sign3A_294 : i32
        %ne3A_296 = arith.cmpi ne, %sign3A_288, %sign3A_295 : i32
        %rem3A_297 = arith.remsi %add3A_279, %jit3A_280 : i32
        %ne3A_298 = arith.constant 0 : i32
        %ne3A_299 = arith.cmpi ne, %rem3A_297, %ne3A_298 : i32
        %and3A_300 = arith.andi %ne3A_296, %ne3A_299 : i1
        %sub3A_301 = arith.constant 1 : i32
        %sub3A_302 = arith.subi %div3A_281, %sub3A_301 : i32
        %select_n3A_303 = arith.select %and3A_300, %sub3A_302, %div3A_281 : i32
        %mul3A_304 = arith.constant 5 : i32
        %mul3A_305 = arith.muli %select_n3A_303, %mul3A_304 : i32
        %sub3A_306 = arith.subi %add3A_279, %mul3A_305 : i32
        %mul3A_307 = arith.constant 16 : i32
        %mul3A_308 = arith.muli %sub3A_306, %mul3A_307 : i32
        %multiple_of3A_309 = tpu.assume_multiple %mul3A_308, 16 : i32
        %get3A_310 = arith.index_cast %select_n3A_303 : i32 to index
        %get3A_311 = arith.index_cast %multiple_of3A_309 : i32 to index
        %get3A_312 = tpu.vector_load %arg5[%get3A_310, %get3A_311] {strides = array<i32>} : memref<32x80xi32, #tpu.memory_space<vmem>>, vector<1x16xi32>,
        %get3A_313 = vector.shape_cast %get3A_312 : vector<1x16xi32> to vector<16xi32>
        %dma_start3A_314 = arith.constant 0 : i32
        %dma_start3A_315 = arith.constant 0 : i32
        %dma_start3A_316 = tpu.memref_slice %arg3[%dma_start3A_314, %dma_start3A_315] : memref<49408x768xf32, #tpu.memory_space<hbm>> -> memref<49408x768xf32, #tpu.memory_space<hbm>>
        tpu.enqueue_indirect_dma source(%dma_start3A_316 : memref<49408x768xf32, #tpu.memory_space<hbm>>) target(%arg9 : memref<16x768xf32, #tpu.memory_space<vmem>>) offsets(%get3A_313 : vector<16xi32>) semaphore(%arg13 : memref<!tpu.dma_semaphore, #tpu.memory_space<semaphore_mem>>)
      } else {
      }
      %mul3A_155 = arith.constant 4 : i32
      %mul3A_156 = arith.muli %scan3A_43, %mul3A_155 : i32
      %add3A_157 = arith.constant 2 : i32
      %add3A_158 = arith.addi %mul3A_156, %add3A_157 : i32
      %get3A_159 = arith.constant 0 : i32
      %get3A_160 = arith.index_cast %get3A_159 : i32 to index
      %get3A_161 = arith.constant 0 : index
      %get3A_162 = tpu.vector_load %arg5[%get3A_160, %get3A_161] {strides = array<i32>} : memref<32x80xi32, #tpu.memory_space<vmem>>, vector<1x16xi32>,
      %get3A_163 = vector.shape_cast %get3A_162 : vector<1x16xi32> to vector<16xi32>
      %dma_wait3A_164 = arith.constant 0 : i32
      %dma_wait3A_165 = arith.constant 0 : i32
      %dma_wait3A_166 = tpu.memref_slice %arg3[%dma_wait3A_164, %dma_wait3A_165] : memref<49408x768xf32, #tpu.memory_space<hbm>> -> memref<49408x768xf32, #tpu.memory_space<hbm>>
      tpu.wait_indirect_dma semaphore(%arg12 : memref<!tpu.dma_semaphore, #tpu.memory_space<semaphore_mem>>) src(%dma_wait3A_166 : memref<49408x768xf32, #tpu.memory_space<hbm>>) dst(%arg8 : memref<16x768xf32, #tpu.memory_space<vmem>>)
      %jit3A_167 = arith.constant 5 : i32
      %div3A_168 = arith.divsi %add3A_158, %jit3A_167 : i32
      %sign3A_169 = arith.constant 0 : i32
      %sign3A_170 = arith.cmpi sgt, %add3A_158, %sign3A_169 : i32
      %sign3A_171 = arith.extui %sign3A_170 : i1 to i32
      %sign3A_172 = arith.constant 0 : i32
      %sign3A_173 = arith.cmpi slt, %add3A_158, %sign3A_172 : i32
      %sign3A_174 = arith.extui %sign3A_173 : i1 to i32
      %sign3A_175 = arith.subi %sign3A_171, %sign3A_174 : i32
      %sign3A_176 = arith.constant 0 : i32
      %sign3A_177 = arith.cmpi sgt, %jit3A_167, %sign3A_176 : i32
      %sign3A_178 = arith.extui %sign3A_177 : i1 to i32
      %sign3A_179 = arith.constant 0 : i32
      %sign3A_180 = arith.cmpi slt, %jit3A_167, %sign3A_179 : i32
      %sign3A_181 = arith.extui %sign3A_180 : i1 to i32
      %sign3A_182 = arith.subi %sign3A_178, %sign3A_181 : i32
      %ne3A_183 = arith.cmpi ne, %sign3A_175, %sign3A_182 : i32
      %rem3A_184 = arith.remsi %add3A_158, %jit3A_167 : i32
      %ne3A_185 = arith.constant 0 : i32
      %ne3A_186 = arith.cmpi ne, %rem3A_184, %ne3A_185 : i32
      %and3A_187 = arith.andi %ne3A_183, %ne3A_186 : i1
      %sub3A_188 = arith.constant 1 : i32
      %sub3A_189 = arith.subi %div3A_168, %sub3A_188 : i32
      %select_n3A_190 = arith.select %and3A_187, %sub3A_189, %div3A_168 : i32
      %mul3A_191 = arith.constant 5 : i32
      %mul3A_192 = arith.muli %select_n3A_190, %mul3A_191 : i32
      %sub3A_193 = arith.subi %add3A_158, %mul3A_192 : i32
      %mul3A_194 = arith.constant 16 : i32
      %mul3A_195 = arith.muli %sub3A_193, %mul3A_194 : i32
      %multiple_of3A_196 = tpu.assume_multiple %mul3A_195, 16 : i32
      %add3A_197 = arith.addi %mul3A_2, %select_n3A_190 : i32
      %dma_start3A_198 = arith.constant 0 : i32
      %dma_start3A_199 = tpu.memref_slice %arg4[%add3A_197, %multiple_of3A_196, %dma_start3A_198] : memref<1024x80x768xf32, #tpu.memory_space<hbm>> -> memref<1x16x768xf32, #tpu.memory_space<hbm>>
      %dma_start3A_200 = tpu.memref_squeeze %dma_start3A_199 : memref<1x16x768xf32, #tpu.memory_space<hbm>> -> memref<16x768xf32, #tpu.memory_space<hbm>>
      %dma_start3A_201 = arith.constant 0 : i32
      %dma_start3A_202 = tpu.memref_slice %arg4[%add3A_197, %multiple_of3A_196, %dma_start3A_201] : memref<1024x80x768xf32, #tpu.memory_space<hbm>> -> memref<1x16x768xf32, #tpu.memory_space<hbm>>
      %dma_start3A_203 = tpu.memref_squeeze %dma_start3A_202 : memref<1x16x768xf32, #tpu.memory_space<hbm>> -> memref<16x768xf32, #tpu.memory_space<hbm>>
      tpu.enqueue_dma source(%arg8 : memref<16x768xf32, #tpu.memory_space<vmem>>) target(%dma_start3A_203 : memref<16x768xf32, #tpu.memory_space<hbm>>) target_semaphore(%arg16 : memref<!tpu.dma_semaphore, #tpu.memory_space<semaphore_mem>>)
      %ge3A_204 = arith.constant 2 : i32
      %ge3A_205 = arith.cmpi sge, %add3A_158, %ge3A_204 : i32
      %convert_element_type3A_206 = arith.extui %ge3A_205 : i1 to i32
      %cond3A_207 = arith.constant 0 : i32
      %cond3A_208 = arith.cmpi ne, %convert_element_type3A_206, %cond3A_207 : i32
      scf.if %cond3A_208 {
        %dma_wait3A_278 = arith.constant 0 : i32
        %dma_wait3A_279 = arith.constant 0 : i32
        %dma_wait3A_280 = arith.constant 0 : i32
        %dma_wait3A_281 = tpu.memref_slice %arg4[%dma_wait3A_278, %dma_wait3A_279, %dma_wait3A_280] : memref<1024x80x768xf32, #tpu.memory_space<hbm>> -> memref<1x16x768xf32, #tpu.memory_space<hbm>>
        %dma_wait3A_282 = tpu.memref_squeeze %dma_wait3A_281 : memref<1x16x768xf32, #tpu.memory_space<hbm>> -> memref<16x768xf32, #tpu.memory_space<hbm>>
        %dma_wait3A_283 = arith.constant 0 : i32
        %dma_wait3A_284 = arith.constant 0 : i32
        %dma_wait3A_285 = tpu.memref_slice %arg4[%dma_wait3A_278, %dma_wait3A_283, %dma_wait3A_284] : memref<1024x80x768xf32, #tpu.memory_space<hbm>> -> memref<1x16x768xf32, #tpu.memory_space<hbm>>
        %dma_wait3A_286 = tpu.memref_squeeze %dma_wait3A_285 : memref<1x16x768xf32, #tpu.memory_space<hbm>> -> memref<16x768xf32, #tpu.memory_space<hbm>>
        tpu.wait_dma2 semaphore(%arg14 : memref<!tpu.dma_semaphore, #tpu.memory_space<semaphore_mem>>) src(%arg6 : memref<16x768xf32, #tpu.memory_space<vmem>>) dst(%dma_wait3A_286 : memref<16x768xf32, #tpu.memory_space<hbm>>)
      } else {
      }
      %add3A_209 = arith.constant 2 : i32
      %add3A_210 = arith.addi %add3A_158, %add3A_209 : i32
      %lt3A_211 = arith.constant 160 : i32
      %lt3A_212 = arith.cmpi slt, %add3A_210, %lt3A_211 : i32
      %convert_element_type3A_213 = arith.extui %lt3A_212 : i1 to i32
      %cond3A_214 = arith.constant 0 : i32
      %cond3A_215 = arith.cmpi ne, %convert_element_type3A_213, %cond3A_214 : i32
      scf.if %cond3A_215 {
        %add3A_278 = arith.constant 2 : i32
        %add3A_279 = arith.addi %add3A_158, %add3A_278 : i32
        %jit3A_280 = arith.constant 5 : i32
        %div3A_281 = arith.divsi %add3A_279, %jit3A_280 : i32
        %sign3A_282 = arith.constant 0 : i32
        %sign3A_283 = arith.cmpi sgt, %add3A_279, %sign3A_282 : i32
        %sign3A_284 = arith.extui %sign3A_283 : i1 to i32
        %sign3A_285 = arith.constant 0 : i32
        %sign3A_286 = arith.cmpi slt, %add3A_279, %sign3A_285 : i32
        %sign3A_287 = arith.extui %sign3A_286 : i1 to i32
        %sign3A_288 = arith.subi %sign3A_284, %sign3A_287 : i32
        %sign3A_289 = arith.constant 0 : i32
        %sign3A_290 = arith.cmpi sgt, %jit3A_280, %sign3A_289 : i32
        %sign3A_291 = arith.extui %sign3A_290 : i1 to i32
        %sign3A_292 = arith.constant 0 : i32
        %sign3A_293 = arith.cmpi slt, %jit3A_280, %sign3A_292 : i32
        %sign3A_294 = arith.extui %sign3A_293 : i1 to i32
        %sign3A_295 = arith.subi %sign3A_291, %sign3A_294 : i32
        %ne3A_296 = arith.cmpi ne, %sign3A_288, %sign3A_295 : i32
        %rem3A_297 = arith.remsi %add3A_279, %jit3A_280 : i32
        %ne3A_298 = arith.constant 0 : i32
        %ne3A_299 = arith.cmpi ne, %rem3A_297, %ne3A_298 : i32
        %and3A_300 = arith.andi %ne3A_296, %ne3A_299 : i1
        %sub3A_301 = arith.constant 1 : i32
        %sub3A_302 = arith.subi %div3A_281, %sub3A_301 : i32
        %select_n3A_303 = arith.select %and3A_300, %sub3A_302, %div3A_281 : i32
        %mul3A_304 = arith.constant 5 : i32
        %mul3A_305 = arith.muli %select_n3A_303, %mul3A_304 : i32
        %sub3A_306 = arith.subi %add3A_279, %mul3A_305 : i32
        %mul3A_307 = arith.constant 16 : i32
        %mul3A_308 = arith.muli %sub3A_306, %mul3A_307 : i32
        %multiple_of3A_309 = tpu.assume_multiple %mul3A_308, 16 : i32
        %get3A_310 = arith.index_cast %select_n3A_303 : i32 to index
        %get3A_311 = arith.index_cast %multiple_of3A_309 : i32 to index
        %get3A_312 = tpu.vector_load %arg5[%get3A_310, %get3A_311] {strides = array<i32>} : memref<32x80xi32, #tpu.memory_space<vmem>>, vector<1x16xi32>,
        %get3A_313 = vector.shape_cast %get3A_312 : vector<1x16xi32> to vector<16xi32>
        %dma_start3A_314 = arith.constant 0 : i32
        %dma_start3A_315 = arith.constant 0 : i32
        %dma_start3A_316 = tpu.memref_slice %arg3[%dma_start3A_314, %dma_start3A_315] : memref<49408x768xf32, #tpu.memory_space<hbm>> -> memref<49408x768xf32, #tpu.memory_space<hbm>>
        tpu.enqueue_indirect_dma source(%dma_start3A_316 : memref<49408x768xf32, #tpu.memory_space<hbm>>) target(%arg6 : memref<16x768xf32, #tpu.memory_space<vmem>>) offsets(%get3A_313 : vector<16xi32>) semaphore(%arg10 : memref<!tpu.dma_semaphore, #tpu.memory_space<semaphore_mem>>)
      } else {
      }
      %mul3A_216 = arith.constant 4 : i32
      %mul3A_217 = arith.muli %scan3A_43, %mul3A_216 : i32
      %add3A_218 = arith.constant 3 : i32
      %add3A_219 = arith.addi %mul3A_217, %add3A_218 : i32
      %get3A_220 = arith.constant 0 : i32
      %get3A_221 = arith.index_cast %get3A_220 : i32 to index
      %get3A_222 = arith.constant 0 : index
      %get3A_223 = tpu.vector_load %arg5[%get3A_221, %get3A_222] {strides = array<i32>} : memref<32x80xi32, #tpu.memory_space<vmem>>, vector<1x16xi32>,
      %get3A_224 = vector.shape_cast %get3A_223 : vector<1x16xi32> to vector<16xi32>
      %dma_wait3A_225 = arith.constant 0 : i32
      %dma_wait3A_226 = arith.constant 0 : i32
      %dma_wait3A_227 = tpu.memref_slice %arg3[%dma_wait3A_225, %dma_wait3A_226] : memref<49408x768xf32, #tpu.memory_space<hbm>> -> memref<49408x768xf32, #tpu.memory_space<hbm>>
      tpu.wait_indirect_dma semaphore(%arg13 : memref<!tpu.dma_semaphore, #tpu.memory_space<semaphore_mem>>) src(%dma_wait3A_227 : memref<49408x768xf32, #tpu.memory_space<hbm>>) dst(%arg9 : memref<16x768xf32, #tpu.memory_space<vmem>>)
      %jit3A_228 = arith.constant 5 : i32
      %div3A_229 = arith.divsi %add3A_219, %jit3A_228 : i32
      %sign3A_230 = arith.constant 0 : i32
      %sign3A_231 = arith.cmpi sgt, %add3A_219, %sign3A_230 : i32
      %sign3A_232 = arith.extui %sign3A_231 : i1 to i32
      %sign3A_233 = arith.constant 0 : i32
      %sign3A_234 = arith.cmpi slt, %add3A_219, %sign3A_233 : i32
      %sign3A_235 = arith.extui %sign3A_234 : i1 to i32
      %sign3A_236 = arith.subi %sign3A_232, %sign3A_235 : i32
      %sign3A_237 = arith.constant 0 : i32
      %sign3A_238 = arith.cmpi sgt, %jit3A_228, %sign3A_237 : i32
      %sign3A_239 = arith.extui %sign3A_238 : i1 to i32
      %sign3A_240 = arith.constant 0 : i32
      %sign3A_241 = arith.cmpi slt, %jit3A_228, %sign3A_240 : i32
      %sign3A_242 = arith.extui %sign3A_241 : i1 to i32
      %sign3A_243 = arith.subi %sign3A_239, %sign3A_242 : i32
      %ne3A_244 = arith.cmpi ne, %sign3A_236, %sign3A_243 : i32
      %rem3A_245 = arith.remsi %add3A_219, %jit3A_228 : i32
      %ne3A_246 = arith.constant 0 : i32
      %ne3A_247 = arith.cmpi ne, %rem3A_245, %ne3A_246 : i32
      %and3A_248 = arith.andi %ne3A_244, %ne3A_247 : i1
      %sub3A_249 = arith.constant 1 : i32
      %sub3A_250 = arith.subi %div3A_229, %sub3A_249 : i32
      %select_n3A_251 = arith.select %and3A_248, %sub3A_250, %div3A_229 : i32
      %mul3A_252 = arith.constant 5 : i32
      %mul3A_253 = arith.muli %select_n3A_251, %mul3A_252 : i32
      %sub3A_254 = arith.subi %add3A_219, %mul3A_253 : i32
      %mul3A_255 = arith.constant 16 : i32
      %mul3A_256 = arith.muli %sub3A_254, %mul3A_255 : i32
      %multiple_of3A_257 = tpu.assume_multiple %mul3A_256, 16 : i32
      %add3A_258 = arith.addi %mul3A_2, %select_n3A_251 : i32
      %dma_start3A_259 = arith.constant 0 : i32
      %dma_start3A_260 = tpu.memref_slice %arg4[%add3A_258, %multiple_of3A_257, %dma_start3A_259] : memref<1024x80x768xf32, #tpu.memory_space<hbm>> -> memref<1x16x768xf32, #tpu.memory_space<hbm>>
      %dma_start3A_261 = tpu.memref_squeeze %dma_start3A_260 : memref<1x16x768xf32, #tpu.memory_space<hbm>> -> memref<16x768xf32, #tpu.memory_space<hbm>>
      %dma_start3A_262 = arith.constant 0 : i32
      %dma_start3A_263 = tpu.memref_slice %arg4[%add3A_258, %multiple_of3A_257, %dma_start3A_262] : memref<1024x80x768xf32, #tpu.memory_space<hbm>> -> memref<1x16x768xf32, #tpu.memory_space<hbm>>
      %dma_start3A_264 = tpu.memref_squeeze %dma_start3A_263 : memref<1x16x768xf32, #tpu.memory_space<hbm>> -> memref<16x768xf32, #tpu.memory_space<hbm>>
      tpu.enqueue_dma source(%arg9 : memref<16x768xf32, #tpu.memory_space<vmem>>) target(%dma_start3A_264 : memref<16x768xf32, #tpu.memory_space<hbm>>) target_semaphore(%arg17 : memref<!tpu.dma_semaphore, #tpu.memory_space<semaphore_mem>>)
      %ge3A_265 = arith.constant 2 : i32
      %ge3A_266 = arith.cmpi sge, %add3A_219, %ge3A_265 : i32
      %convert_element_type3A_267 = arith.extui %ge3A_266 : i1 to i32
      %cond3A_268 = arith.constant 0 : i32
      %cond3A_269 = arith.cmpi ne, %convert_element_type3A_267, %cond3A_268 : i32
      scf.if %cond3A_269 {
        %dma_wait3A_278 = arith.constant 0 : i32
        %dma_wait3A_279 = arith.constant 0 : i32
        %dma_wait3A_280 = arith.constant 0 : i32
        %dma_wait3A_281 = tpu.memref_slice %arg4[%dma_wait3A_278, %dma_wait3A_279, %dma_wait3A_280] : memref<1024x80x768xf32, #tpu.memory_space<hbm>> -> memref<1x16x768xf32, #tpu.memory_space<hbm>>
        %dma_wait3A_282 = tpu.memref_squeeze %dma_wait3A_281 : memref<1x16x768xf32, #tpu.memory_space<hbm>> -> memref<16x768xf32, #tpu.memory_space<hbm>>
        %dma_wait3A_283 = arith.constant 0 : i32
        %dma_wait3A_284 = arith.constant 0 : i32
        %dma_wait3A_285 = tpu.memref_slice %arg4[%dma_wait3A_278, %dma_wait3A_283, %dma_wait3A_284] : memref<1024x80x768xf32, #tpu.memory_space<hbm>> -> memref<1x16x768xf32, #tpu.memory_space<hbm>>
        %dma_wait3A_286 = tpu.memref_squeeze %dma_wait3A_285 : memref<1x16x768xf32, #tpu.memory_space<hbm>> -> memref<16x768xf32, #tpu.memory_space<hbm>>
        tpu.wait_dma2 semaphore(%arg15 : memref<!tpu.dma_semaphore, #tpu.memory_space<semaphore_mem>>) src(%arg7 : memref<16x768xf32, #tpu.memory_space<vmem>>) dst(%dma_wait3A_286 : memref<16x768xf32, #tpu.memory_space<hbm>>)
      } else {
      }
      %add3A_270 = arith.constant 2 : i32
      %add3A_271 = arith.addi %add3A_219, %add3A_270 : i32
      %lt3A_272 = arith.constant 160 : i32
      %lt3A_273 = arith.cmpi slt, %add3A_271, %lt3A_272 : i32
      %convert_element_type3A_274 = arith.extui %lt3A_273 : i1 to i32
      %cond3A_275 = arith.constant 0 : i32
      %cond3A_276 = arith.cmpi ne, %convert_element_type3A_274, %cond3A_275 : i32
      scf.if %cond3A_276 {
        %add3A_278 = arith.constant 2 : i32
        %add3A_279 = arith.addi %add3A_219, %add3A_278 : i32
        %jit3A_280 = arith.constant 5 : i32
        %div3A_281 = arith.divsi %add3A_279, %jit3A_280 : i32
        %sign3A_282 = arith.constant 0 : i32
        %sign3A_283 = arith.cmpi sgt, %add3A_279, %sign3A_282 : i32
        %sign3A_284 = arith.extui %sign3A_283 : i1 to i32
        %sign3A_285 = arith.constant 0 : i32
        %sign3A_286 = arith.cmpi slt, %add3A_279, %sign3A_285 : i32
        %sign3A_287 = arith.extui %sign3A_286 : i1 to i32
        %sign3A_288 = arith.subi %sign3A_284, %sign3A_287 : i32
        %sign3A_289 = arith.constant 0 : i32
        %sign3A_290 = arith.cmpi sgt, %jit3A_280, %sign3A_289 : i32
        %sign3A_291 = arith.extui %sign3A_290 : i1 to i32
        %sign3A_292 = arith.constant 0 : i32
        %sign3A_293 = arith.cmpi slt, %jit3A_280, %sign3A_292 : i32
        %sign3A_294 = arith.extui %sign3A_293 : i1 to i32
        %sign3A_295 = arith.subi %sign3A_291, %sign3A_294 : i32
        %ne3A_296 = arith.cmpi ne, %sign3A_288, %sign3A_295 : i32
        %rem3A_297 = arith.remsi %add3A_279, %jit3A_280 : i32
        %ne3A_298 = arith.constant 0 : i32
        %ne3A_299 = arith.cmpi ne, %rem3A_297, %ne3A_298 : i32
        %and3A_300 = arith.andi %ne3A_296, %ne3A_299 : i1
        %sub3A_301 = arith.constant 1 : i32
        %sub3A_302 = arith.subi %div3A_281, %sub3A_301 : i32
        %select_n3A_303 = arith.select %and3A_300, %sub3A_302, %div3A_281 : i32
        %mul3A_304 = arith.constant 5 : i32
        %mul3A_305 = arith.muli %select_n3A_303, %mul3A_304 : i32
        %sub3A_306 = arith.subi %add3A_279, %mul3A_305 : i32
        %mul3A_307 = arith.constant 16 : i32
        %mul3A_308 = arith.muli %sub3A_306, %mul3A_307 : i32
        %multiple_of3A_309 = tpu.assume_multiple %mul3A_308, 16 : i32
        %get3A_310 = arith.index_cast %select_n3A_303 : i32 to index
        %get3A_311 = arith.index_cast %multiple_of3A_309 : i32 to index
        %get3A_312 = tpu.vector_load %arg5[%get3A_310, %get3A_311] {strides = array<i32>} : memref<32x80xi32, #tpu.memory_space<vmem>>, vector<1x16xi32>,
        %get3A_313 = vector.shape_cast %get3A_312 : vector<1x16xi32> to vector<16xi32>
        %dma_start3A_314 = arith.constant 0 : i32
        %dma_start3A_315 = arith.constant 0 : i32
        %dma_start3A_316 = tpu.memref_slice %arg3[%dma_start3A_314, %dma_start3A_315] : memref<49408x768xf32, #tpu.memory_space<hbm>> -> memref<49408x768xf32, #tpu.memory_space<hbm>>
        tpu.enqueue_indirect_dma source(%dma_start3A_316 : memref<49408x768xf32, #tpu.memory_space<hbm>>) target(%arg7 : memref<16x768xf32, #tpu.memory_space<vmem>>) offsets(%get3A_313 : vector<16xi32>) semaphore(%arg11 : memref<!tpu.dma_semaphore, #tpu.memory_space<semaphore_mem>>)
      } else {
      }
      %scan3A_277 = arith.constant 0 : i32
      scf.yield %scan3A_277 : i32
    }
    %scan3A_25 = arith.constant 40 : i32
    %dma_wait3A = arith.constant 0 : i32
    %dma_wait3A_26 = arith.constant 0 : i32
    %dma_wait3A_27 = arith.constant 0 : i32
    %dma_wait3A_28 = tpu.memref_slice %arg4[%dma_wait3A, %dma_wait3A_26, %dma_wait3A_27] : memref<1024x80x768xf32, #tpu.memory_space<hbm>> -> memref<1x16x768xf32, #tpu.memory_space<hbm>>
    %dma_wait3A_29 = tpu.memref_squeeze %dma_wait3A_28 : memref<1x16x768xf32, #tpu.memory_space<hbm>> -> memref<16x768xf32, #tpu.memory_space<hbm>>
    %dma_wait3A_30 = arith.constant 0 : i32
    %dma_wait3A_31 = arith.constant 0 : i32
    %dma_wait3A_32 = tpu.memref_slice %arg4[%dma_wait3A, %dma_wait3A_30, %dma_wait3A_31] : memref<1024x80x768xf32, #tpu.memory_space<hbm>> -> memref<1x16x768xf32, #tpu.memory_space<hbm>>
    %dma_wait3A_33 = tpu.memref_squeeze %dma_wait3A_32 : memref<1x16x768xf32, #tpu.memory_space<hbm>> -> memref<16x768xf32, #tpu.memory_space<hbm>>
    tpu.wait_dma2 semaphore(%arg16 : memref<!tpu.dma_semaphore, #tpu.memory_space<semaphore_mem>>) src(%arg8 : memref<16x768xf32, #tpu.memory_space<vmem>>) dst(%dma_wait3A_33 : memref<16x768xf32, #tpu.memory_space<hbm>>)
    %dma_wait3A_34 = arith.constant 0 : i32
    %dma_wait3A_35 = arith.constant 0 : i32
    %dma_wait3A_36 = arith.constant 0 : i32
    %dma_wait3A_37 = tpu.memref_slice %arg4[%dma_wait3A_34, %dma_wait3A_35, %dma_wait3A_36] : memref<1024x80x768xf32, #tpu.memory_space<hbm>> -> memref<1x16x768xf32, #tpu.memory_space<hbm>>
    %dma_wait3A_38 = tpu.memref_squeeze %dma_wait3A_37 : memref<1x16x768xf32, #tpu.memory_space<hbm>> -> memref<16x768xf32, #tpu.memory_space<hbm>>
    %dma_wait3A_39 = arith.constant 0 : i32
    %dma_wait3A_40 = arith.constant 0 : i32
    %dma_wait3A_41 = tpu.memref_slice %arg4[%dma_wait3A_34, %dma_wait3A_39, %dma_wait3A_40] : memref<1024x80x768xf32, #tpu.memory_space<hbm>> -> memref<1x16x768xf32, #tpu.memory_space<hbm>>
    %dma_wait3A_42 = tpu.memref_squeeze %dma_wait3A_41 : memref<1x16x768xf32, #tpu.memory_space<hbm>> -> memref<16x768xf32, #tpu.memory_space<hbm>>
    tpu.wait_dma2 semaphore(%arg17 : memref<!tpu.dma_semaphore, #tpu.memory_space<semaphore_mem>>) src(%arg9 : memref<16x768xf32, #tpu.memory_space<vmem>>) dst(%dma_wait3A_42 : memref<16x768xf32, #tpu.memory_space<hbm>>)
    return
  }
}

module attributes {stable_mosaic.version = 14 : i64} {
  func.func @_add_pos_body(%arg0: i32, %arg1: memref<8x80x768xf32, #tpu.memory_space<vmem>>, %arg2: memref<77x768xf32, #tpu.memory_space<vmem>>, %arg3: memref<8x77x768xf32, #tpu.memory_space<vmem>>) attributes {dimension_semantics = [#tpu.dimension_semantics<arbitrary>], iteration_bounds = array<i64: 128>, scalar_prefetch = 0 : i64, scratch_operands = 0 : i64, tpu.core_type = #tpu.core_type<tc>, window_params = [{transform_indices = @transform_0, window_bounds = array<i64: 8, 80, 768>}, {pipeline_mode = #tpu.pipeline_mode<synchronous>, transform_indices = @transform_1, window_bounds = array<i64: 77, 768>}, {transform_indices = @transform_2, window_bounds = array<i64: 8, 77, 768>}]} {
    %get3A = arith.constant 0 : index
    %get3A_0 = arith.constant 0 : index
    %get3A_1 = arith.constant 0 : index
    %get3A_2 = vector.load %arg1[%get3A, %get3A_0, %get3A_1] : memref<8x80x768xf32, #tpu.memory_space<vmem>>, vector<8x77x768xf32>
    %get3A_3 = arith.constant 0 : index
    %get3A_4 = arith.constant 0 : index
    %get3A_5 = vector.load %arg2[%get3A_3, %get3A_4] : memref<77x768xf32, #tpu.memory_space<vmem>>, vector<77x768xf32>
    %broadcast_in_dim3A = vector.shape_cast %get3A_5 : vector<77x768xf32> to vector<1x77x768xf32>
    %add3A = vector.broadcast %broadcast_in_dim3A : vector<1x77x768xf32> to vector<8x77x768xf32>
    %add3A_6 = arith.addf %get3A_2, %add3A : vector<8x77x768xf32>
    %swap3A = arith.constant 0 : index
    %swap3A_7 = arith.constant 0 : index
    %swap3A_8 = arith.constant 0 : index
    %swap3A_9 = vector.load %arg3[%swap3A, %swap3A_7, %swap3A_8] : memref<8x77x768xf32, #tpu.memory_space<vmem>>, vector<8x77x768xf32>
    tpu.vector_store %arg3[%swap3A, %swap3A_7, %swap3A_8], %add3A_6 {strides = array<i32>} : memref<8x77x768xf32, #tpu.memory_space<vmem>>, vector<8x77x768xf32>,
    return
  }
  func.func @transform_0(%arg0: i32) -> (i32, i32, i32) {
    %c0_i32 = arith.constant 0 : i32
    %c0_i32_0 = arith.constant 0 : i32
    %c0_i32_1 = arith.constant 0 : i32
    return %arg0, %c0_i32, %c0_i32_0 : i32, i32, i32
  }
  func.func @transform_1(%arg0: i32) -> (i32, i32) {
    %c0_i32 = arith.constant 0 : i32
    %c0_i32_0 = arith.constant 0 : i32
    %c0_i32_1 = arith.constant 0 : i32
    return %c0_i32, %c0_i32_0 : i32, i32
  }
  func.func @transform_2(%arg0: i32) -> (i32, i32, i32) {
    %c0_i32 = arith.constant 0 : i32
    %c0_i32_0 = arith.constant 0 : i32
    %c0_i32_1 = arith.constant 0 : i32
    return %arg0, %c0_i32, %c0_i32_0 : i32, i32, i32
  }
}

</mosaic_0001>

<sc_bundles>
// kernel: kernel.4.cloned.1.call-start
scs
__scs_entry_jumppad:
0x0: {  	(pc) =	sbr.rel $0x88, $3  }
0x1: {  	(tag) =	ssettag $0x0;
	lr =	simm.s32 $0x1  }
0x2: {  	[smem:$0x3F9E] =	sst lr;
	_ =	strace $0xD0000000  }
0x3: {  	_ = 	snop  }
0x4: {  	_ = 	snop  }
0x5: {  	_ = 	snop  }
0x6: {  	_ = 	snop  }
0x7: {  	_ = 	snop  }
__scs_overlays_trampoline_lowered:
0x8: {  	[smem:$0x3FAD] =	sst s0  }
0x9: {  	[smem:$0x3FAE] =	sst s1  }
0xa: {  	[smem:$0x3FAF] =	sst s2  }
0xb: {  	[smem:$0x3FB0] =	sst s3  }
0xc: {  	[smem:$0x3FB1] =	sst s4  }
0xd: {  	[smem:$0x3FB2] =	sst s5  }
0xe: {  	[smem:$0x3FB3] =	sst s6  }
0xf: {  	[smem:$0x3FB4] =	sst s7  }
0x10: {  	[smem:$0x3FB5] =	sst s8  }
0x11: {  	[smem:$0x3FB6] =	sst s9;
	s0 =	simm.s32 @!p0 $0x0  }
0x12: {  	s1 =	sld [smem:$0x3F9C];
	s0 =	simm.s32 @p0 $0x1  }
0x13: {  	[smem:$0x3FB7] =	sst s0;
	s0 =	simm.s32 @!p1 $0x0  }
0x14: {  	s2 =	sld [smem:$0x3F9B];
	s0 =	simm.s32 @p1 $0x1  }
0x15: {  	[smem:$0x3FB8] =	sst s0;
	s0 =	simm.s32 @!p2 $0x0  }
0x16: {  	s3 =	sld [smem:$0x3FDB];
	s0 =	simm.s32 @p2 $0x1  }
0x17: {  	s4 =	simm.s32 $0x1BF5;
	[smem:$0x3FBA] =	sst s0  }
0x18: {  	s0 =	sld [smem:$0x3F9D];
	_ =	swait.ge [sflag:s4], $0x0  }
0x19: {  	s7 =	sld [smem:$0x3F9E]  }
0x1a: {  	s8 =	sadd.s32 $0xFFFFE003, lr  }
0x1b: {  	s9 =	sadd.s32 $0xFFFFFEF7, lr;
	s5 =	simm.s32 $0xFFFFFFFF;
	p2 =	slt.u32 s8, $0xFFFFF086  }
0x1c: {  	p1 =	slt.u32 s9, $0xF7A;
	s5 =	simm.s32 @!p2 $0x0  }
0x1d: {  	s5 =	simm.s32 @p1 $0x1;
	p0 =	seq.s32 s7, s2  }
0x1e: {  	s7 =	smul.u32 @!p0 $0xF7A, s2;
	p2 =	seq.s32 @!p0 s5, $0x0  }
0x1f: {  	s9 =	smul.u32 $0xF7A, s1;
	s8 =	simm.s32 @!p0 $0x1BF5;
	p2 =	por !p2, p0  }
0x20: {  	[sflag:s8] =	ssyncset.s32 @!p0 $0xFFFFF086;
	s6 =	sadd.s32 @!p0 s3, s7;
	s7 =	simm.s32 @!p0 $0x108  }
0x21: {  	s3 =	sadd.s32 s3, s9;
	s6 =	sadd.s32 @!p0 $0x88, s6;
	s7 =	simm.s32 @p2 $0x1082  }
0x22: {  	[simem:s7], [sflag:s8] =	dma.local @!p0 [hbm:s6], $0xF7A  }
0x23: {  	s9 =	sor.u32 $0xD0000000, s2;
	s6 =	simm.s32 $0x108;
	_ =	swait.ge @!p0 [sflag:s8], $0x0  }
0x24: {  	s3 =	sadd.s32 $0x88, s3;
	s6 =	simm.s32 @!p1 $0x1082;
	[sflag:s4] =	ssyncset.s32 $0xFFFFF086  }
0x25: {  	[simem:s6], [sflag:s4] =	dma.local [hbm:s3], $0xF7A  }
0x26: {  	[smem:$0x3F9E] =	sst s1;
	(tag) =	ssettag s2;
	_ =	strace s9  }
0x27: {  	s1 =	sld [smem:$0x3FAE]  }
0x28: {  	s2 =	sld [smem:$0x3FAF]  }
0x29: {  	s4 =	sld [smem:$0x3FB1]  }
0x2a: {  	p0 =	seq.s32 s5, $0x0;
	s5 =	sld [smem:$0x3FB2]  }
0x2b: {  	s6 =	sld [smem:$0x3FB3]  }
0x2c: {  	s7 =	sld [smem:$0x3FB4]  }
0x2d: {  	s3 =	simm.s32 $0x108;
	s8 =	sld [smem:$0x3FB5]  }
0x2e: {  	s3 =	simm.s32 @!p0 $0x1082;
	s9 =	sld [smem:$0x3FB6]  }
0x2f: {  	lr =	sadd.s32 s0, s3;
	s0 =	sld [smem:$0x3FAD]  }
0x30: {  	s3 =	sld [smem:$0x3FB0]  }
0x31: {  	[smem:$0x3FB9] =	sst s10  }
0x32: {  	s10 =	sld [smem:$0x3FB7];
	_ =	sdelay $0x3  }
0x33: {  	p0 =	seq.s32 s10, $0x1;
	s10 =	sld [smem:$0x3FB9];
	_ =	sdelay $0x3  }
0x34: {  	[smem:$0x3FB9] =	sst s10  }
0x35: {  	s10 =	sld [smem:$0x3FB8];
	_ =	sdelay $0x3  }
0x36: {  	p1 =	seq.s32 s10, $0x1;
	s10 =	sld [smem:$0x3FB9];
	_ =	sdelay $0x3  }
0x37: {  	[smem:$0x3FB9] =	sst s10  }
0x38: {  	s10 =	sld [smem:$0x3FBA]  }
0x39: {  	_ = 	snop;
	(pc) =	sbr.ind lr, $3  }
0x3a: {  	_ = 	snop  }
0x3b: {  	_ = 	snop  }
0x3c: {  	p2 =	seq.s32 s10, $0x1;
	s10 =	sld [smem:$0x3FB9]  }
0x3d: {  	_ =	shalt  }
0x3e: {  	_ =	shalt  }
0x3f: {  	_ =	shalt  }
0x40: {  	_ =	shalt  }
0x41: {  	_ =	shalt  }
0x42: {  	_ =	shalt  }
0x43: {  	_ =	shalt  }
0x44: {  	_ =	shalt  }
0x45: {  	_ =	shalt  }
0x46: {  	_ =	shalt  }
0x47: {  	_ =	shalt  }
0x48: {  	_ =	shalt  }
0x49: {  	_ =	shalt  }
0x4a: {  	_ =	shalt  }
0x4b: {  	_ =	shalt  }
0x4c: {  	_ =	shalt  }
0x4d: {  	_ =	shalt  }
0x4e: {  	_ =	shalt  }
0x4f: {  	_ =	shalt  }
0x50: {  	_ =	shalt  }
0x51: {  	_ =	shalt  }
0x52: {  	_ =	shalt  }
0x53: {  	_ =	shalt  }
0x54: {  	_ =	shalt  }
0x55: {  	_ =	shalt  }
0x56: {  	_ =	shalt  }
0x57: {  	_ =	shalt  }
0x58: {  	_ =	shalt  }
0x59: {  	_ =	shalt  }
0x5a: {  	_ =	shalt  }
0x5b: {  	_ =	shalt  }
0x5c: {  	_ =	shalt  }
0x5d: {  	_ =	shalt  }
0x5e: {  	_ =	shalt  }
0x5f: {  	_ =	shalt  }
0x60: {  	_ =	shalt  }
0x61: {  	_ =	shalt  }
0x62: {  	_ =	shalt  }
0x63: {  	_ =	shalt  }
0x64: {  	_ =	shalt  }
0x65: {  	_ =	shalt  }
0x66: {  	_ =	shalt  }
0x67: {  	_ =	shalt  }
0x68: {  	_ =	shalt  }
0x69: {  	_ =	shalt  }
0x6a: {  	_ =	shalt  }
0x6b: {  	_ =	shalt  }
0x6c: {  	_ =	shalt  }
0x6d: {  	_ =	shalt  }
0x6e: {  	_ =	shalt  }
0x6f: {  	_ =	shalt  }
0x70: {  	_ =	shalt  }
0x71: {  	_ =	shalt  }
0x72: {  	_ =	shalt  }
0x73: {  	_ =	shalt  }
0x74: {  	_ =	shalt  }
0x75: {  	_ =	shalt  }
0x76: {  	_ =	shalt  }
0x77: {  	_ =	shalt  }
0x78: {  	_ =	shalt  }
0x79: {  	_ =	shalt  }
0x7a: {  	_ =	shalt  }
0x7b: {  	_ =	shalt  }
0x7c: {  	_ =	shalt  }
0x7d: {  	_ =	shalt  }
0x7e: {  	_ =	shalt  }
0x7f: {  	_ =	shalt  }
0x80: {  	_ =	shalt  }
0x81: {  	_ =	shalt  }
0x82: {  	_ =	shalt  }
0x83: {  	_ =	shalt  }
0x84: {  	_ =	shalt  }
0x85: {  	_ =	shalt  }
0x86: {  	_ =	shalt  }
0x87: {  	_ =	shalt  }
.Lfunc_end0:
.L_simem_size_0:
called_computation_lowered:
.L_overlay_start_0:
0x88: {  	s2 =	sld [smem:$0x3FD9]  }
0x89: {  	s3 =	sld [smem:$0x3FFE];
	_ =	sdelay $0x1  }
0x8a: {  	s1 =	srdreg.scid  }
0x8b: {  	s0 =	sand.u32 $0x1, s1  }
0x8c: {  	s17 =	sshll.u32 s0, $0xA;
	s2 =	sadd.s32 s3, s2  }
0x8d: {  	s2 =	sadd.s32 s2, s17  }
0x8e: {  	[smem:$0x3FC5] =	sst s2  }
0x8f: {  	_ = 	snop  }
0x90: {  	s2 =	sld [smem:$0x3FC8]  }
0x91: {  	s18 =	sld [smem:$0x3FD0];
	(tm) =	ssettm $0x1  }
0x92: {  	s4 =	sld [smem:$0x3FFB];
	_ =	sdelay $0x3  }
0x93: {  	_ =	strace s4  }
0x94: {  	s4 =	sld [smem:$0x3FFC];
	_ =	sdelay $0x3  }
0x95: {  	_ =	strace s4  }
0x96: {  	s4 =	sld [smem:$0x3FFD];
	_ =	sdelay $0x3  }
0x97: {  	_ =	strace s4  }
0x98: {  	_ =	strace $0x8FFFFFFF  }
0x99: {  	s19 =	sld [smem:$0x3FDB];
	_ =	sdelay $0x1  }
0x9a: {  	s5 =	simm.s32 $_scs_section_size  }
0x9b: {  	s6 =	simm.s32 $_size__tile_overlayer_lowered;
	s7 =	simm.s32 $_tile_overlayer_lowered  }
0x9c: {  	s22 =	simm.s32 $0x1BFF;
	s21 =	sshll.u32 s7, $0x1;
	s4 =	sadd.s32 s5, s19  }
0x9d: {  	s8 =	simm.s32 $0x0;
	s20 =	sshll.u32 s6, $0x1;
	s6 =	sadd.s32 s21, s4  }
0x9e: {  	[timem:s8], [sflag:s22] =	dma.local [hbm:s6], s20  }
0x9f: {  	_ =	swait.ge [sflag:s22], s20  }
0xa0: {  	s5 =	ssub.s32 $0x0, s20;
	[sflag:s22] =	ssyncset.done $0x0  }
0xa1: {  	[sflag:s22] =	ssyncadd.s32 s5;
	_ =	sdelay $0x1  }
0xa2: {  	s23 =	simm.s32 $0x1B8B  }
0xa3: {  	_ =	swait.ge [sflag:s23], $0x1  }
0xa4: {  	[sflag:s23] =	ssyncset.done $0x0  }
0xa5: {  	s25 =	simm.s32 $0x1B8E;
	s24 =	sld [smem:$0x3FFE];
	[sflag:s23] =	ssyncadd.s32 $0xFFFFFFFF  }
0xa6: {  	s26 =	simm.s32 $execute0_lowered;
	[smem:$0x3FD2] =	sst s25  }
0xa7: {  	s6 =	sshll.u32 s26, $0x1;
	_ =	strace $0x80000046;
	[dreg:$0x1] =	wrdreg $0xFFFFFFFF  }
0xa8: {  	s28 =	simm.s32 $_size_execute0_lowered;
	s4 =	sadd.s32 s4, s6;
	[dreg:$0x0] =	wrdreg $0x0  }
0xa9: {  	s6 =	sshll.u32 s28, $0x1;
	[dreg:$0x2] =	wrdreg s4  }
0xaa: {  	[dreg:$0x3] =	wrdreg s6  }
0xab: {  	[dreg:$0x4] =	wrdreg $0xC0  }
0xac: {  	_ =	task [dreg:s8], $0x5FFFF  }
0xad: {  	[dreg:$0x1] =	wrdreg $0xFFFFFFFF  }
0xae: {  	[dreg:$0x0] =	wrdreg $0x60  }
0xaf: {  	[dreg:$0x2] =	wrdreg s18  }
0xb0: {  	[dreg:$0x3] =	wrdreg s2  }
0xb1: {  	[dreg:$0x4] =	wrdreg s24  }
0xb2: {  	[dreg:$0x5] =	wrdreg $0x9  }
0xb3: {  	_ =	task.clear_ibuf [dreg:s8], $0x6FFFF;
	_ =	strace $0x90000046  }
0xb4: {  	s29 =	simm.s32 $0x9;
	_ =	strace $0x80000048  }
0xb5: {  	_ =	swait.ge [sflag:s29], $0x1  }
0xb6: {  	[sflag:s29] =	ssyncadd.s32 $0xFFFFFFFF  }
0xb7: {  	_ =	strace $0x90000048  }
0xb8: {  	_ =	sfence  }
0xb9: {  	s30 =	sld [smem:$0x0];
	_ =	sdelay $0x2  }
0xba: {  	s31 =	sshll.u32 s1, $0xD;
	s1 =	sshrl.u32 s1, $0x2  }
0xbb: {  	s3 =	sand.u32 $0x4000, s31;
	s1 =	sadd.s32 s1, s30  }
0xbc: {  	s0 =	sor.u32 s3, s0;
	s1 =	sshll.u32 s1, $0x11  }
0xbd: {  	s0 =	sor.u32 s1, s0  }
0xbe: {  	s0 =	sadd.s32 $0x8F2B, s0  }
0xbf: {  	[sflag:s0] =	ssyncadd.remote.s32 $0x1  }
0xc0: {  	_ =	sfence.sel $0xFFFF  }
0xc1: {  	[dreg:$0x0] =	wrdreg $0xFFFFFFFF;
	(pc) =	sbr.abs _section_cstart, $3  }
0xc2: {  	[dreg:$0x1] =	wrdreg $0xFFFFFFFF  }
0xc3: {  	_ =	task.clear_ibuf [dreg:s8], $0x2FFFF;
	_ =	strace $0x9FFFFFFF  }
0xc4: {  	(tm) =	ssettm $0x7FFFFFFF  }
0xc5: {  	_ =	shalt  }
tec
execute0_lowered:
.L_overlay_start_1:
0x0: {  	(tag) =	ssettag $0x1  }
0x1: {  	s0 =	rddreg [dreg:$0x0]  }
0x2: {  	s1 =	rddreg [dreg:$0x1]  }
0x3: {  	s2 =	rddreg [dreg:$0x2]  }
0x4: {  	s4 =	srdreg.scid;
	s3 =	simm.s32 $0x0;
	s6 =	stileid.u32  }
0x5: {  	s16 =	simm.s32 $0x4000;
	s10 =	simm.s32 $0x6;
	s4 =	sand.u32 $0x1, s4  }
0x6: {  	[smem:$0x7FF] =	sst s3;
	s6 =	sshll.u32 s6, $0x1;
	s8 =	sadd.s32 $0x200, s1  }
.Ltmp0:
0x7: {  	s5 =	ssub.s32 $0x2, s4;
	s6 =	sor.u32 s4, s6;
	(pc) =	sbr.rel .LBB2_1-.Ltmp0, $4  }
0x8: {  	_ =	strace $0x80000047;
	s7 =	sshrl.u32 s5, $0x1;
	s30 =	sshll.u32 s6, $0x9  }
0x9: {  	v2 =	vlaneseq.u32;
	s4 =	sadd.s32 $0x600, s2;
	s29 =	ssub.s32 s5, s7;
	s0 =	sadd.s32 s0, s30  }
0xa: {  	vm0 =	vmmov $0xffff;
	v1 =	vshrl.u32 v2, $0x3;
	s5 =	sshll.u32 s6, $0x5;
	[dreg:$0x4] =	wrdreg s0;
	s31 =	smax.u32 s29, $0x1  }
0xb: {  	v0 =	vand.u32 $0x7, v2;
	v2 =	vor.u32 $0x8, v2;
	v1 =	vmul.u32 $0x8, v1;
	s7 =	sadd.s32 $0x100, s1;
	s6 =	simm.s32 $0x0;
	[dreg:$0x5] =	wrdreg s31  }
.LBB2_4:
0xc: {  	s0 =	simm.s32 $0x7  }
0xd: {  	_ =	swait.ge [sflag:s0], $0x3000  }
0xe: {  	[sflag:s0] =	ssyncset.done $0x0  }
0xf: {  	s2 =	simm.s32 $0x8;
	[sflag:s0] =	ssyncadd.s32 $0xFFFFD000  }
0x10: {  	_ =	swait.ge [sflag:s2], $0x3000  }
0x11: {  	s6 =	rddreg [dreg:$0x6]  }
0x12: {  	s31 =	rddreg [dreg:$0x5];
	s6 =	sadd.s32 $0x1, s6  }
0x13: {  	p0 =	sne.s32 s6, s31  }
.Ltmp1:
0x14: {  	_ = 	snop;
	(pc) =	sbr.rel @!p0 .LBB2_5-.Ltmp1, $3  }
0x15: {  	_ =	sdelay $0x1  }
0x16: {  	[sflag:s2] =	ssyncset.done $0x0  }
0x17: {  	s16 =	simm.s32 $0x4000;
	[sflag:s2] =	ssyncadd.s32 $0xFFFFD000  }
.LBB2_1:
0x18: {  	[dreg:$0x6] =	wrdreg s6  }
0x19: {  	s0 =	rddreg [dreg:$0x4];
	s15 =	simm.s32 $0x9  }
0x1a: {  	[tilespmem:s3], [sflag:$0x9] =	stream.linear.gather [hbm4b:s0+s3], $0x1000, $0x38;
	[tilespmem:$0xD000] =	vst v63  }
0x1b: {  	_ =	swait.ge [sflag:s15], $0x1000  }
0x1c: {  	[sflag:s15] =	ssyncset.done $0x0  }
0x1d: {  	[sflag:s15] =	ssyncadd.s32 $0xFFFFF000  }
0x1e: {  	v3 =	vld [tilespmem:$0x0];
	_ =	sdelay $0x4  }
0x1f: {  	v4 =	vshrl.u32 v3, $0x3  }
0x20: {  	v4 =	vmul.u32 $0x30, v4  }
0x21: {  	v3 =	vand.u32 $0x7, v3  }
0x22: {  	v3 =	vor.u32 v3, v4  }
0x23: {  	v4 =	vperm.xlane v3, v0;
	_ =	sdelay $0x1  }
0x24: {  	v4 =	vadd.s32 v1, v4;
	_ =	sdelay $0x3  }
0x25: {  	s17 =	simm.s32 $0x1000;
	v3 =	vperm.xlane v3, v2  }
0x26: {  	[tilespmem:s17], [sflag:$0x1] =	stream.indirect_vreg.gather [hbm4b:s1+s3], $0x80, v4, vm0, $0xb8;
	[tilespmem:$0xD000] =	vst v63  }
0x27: {  	s18 =	simm.s32 $0x1800;
	v3 =	vadd.s32 v1, v3  }
0x28: {  	[tilespmem:s18], [sflag:$0x1] =	stream.indirect_vreg.gather [hbm4b:s7+s3], $0x80, v4, vm0, $0xb8;
	[tilespmem:$0xD000] =	vst v63  }
0x29: {  	s19 =	simm.s32 $0x2000  }
0x2a: {  	[tilespmem:s19], [sflag:$0x1] =	stream.indirect_vreg.gather [hbm4b:s8+s3], $0x80, v4, vm0, $0xb8;
	[tilespmem:$0xD000] =	vst v63  }
0x2b: {  	s20 =	simm.s32 $0x2800  }
0x2c: {  	[tilespmem:s20], [sflag:$0x1] =	stream.indirect_vreg.gather [hbm4b:s1+s3], $0x80, v3, vm0, $0xb8;
	[tilespmem:$0xD000] =	vst v63  }
0x2d: {  	s21 =	simm.s32 $0x3000  }
0x2e: {  	[tilespmem:s21], [sflag:$0x1] =	stream.indirect_vreg.gather [hbm4b:s7+s3], $0x80, v3, vm0, $0xb8;
	[tilespmem:$0xD000] =	vst v63  }
0x2f: {  	s22 =	simm.s32 $0x3800  }
0x30: {  	[tilespmem:s22], [sflag:$0x1] =	stream.indirect_vreg.gather [hbm4b:s8+s3], $0x80, v3, vm0, $0xb8;
	[tilespmem:$0xD000] =	vst v63  }
0x31: {  	v3 =	vld [tilespmem:$0x10];
	_ =	sdelay $0x4  }
0x32: {  	v63 =	vshrl.u32 v3, $0x3  }
0x33: {  	v4 =	vmul.u32 $0x30, v63  }
0x34: {  	v3 =	vand.u32 $0x7, v3  }
0x35: {  	v3 =	vor.u32 v3, v4  }
0x36: {  	v4 =	vperm.xlane v3, v0;
	_ =	sdelay $0x1  }
0x37: {  	v4 =	vadd.s32 v1, v4;
	_ =	sdelay $0x2  }
0x38: {  	s23 =	simm.s32 $0x4800  }
0x39: {  	s24 =	simm.s32 $0x5000;
	s25 =	simm.s32 $0x5800;
	s26 =	simm.s32 $0x6000;
	v3 =	vperm.xlane v3, v2  }
0x3a: {  	[tilespmem:s16], [sflag:$0x2] =	stream.indirect_vreg.gather [hbm4b:s1+s3], $0x80, v4, vm0, $0xb8;
	[tilespmem:$0xD000] =	vst v63  }
0x3b: {  	s31 =	simm.s32 $0x6800;
	s11 =	simm.s32 $0x5;
	s28 =	simm.s32 $0x4;
	v3 =	vadd.s32 v1, v3  }
0x3c: {  	[tilespmem:s23], [sflag:$0x2] =	stream.indirect_vreg.gather [hbm4b:s7+s3], $0x80, v4, vm0, $0xb8;
	[tilespmem:$0xD000] =	vst v63  }
0x3d: {  	s29 =	simm.s32 $0x1;
	s30 =	simm.s32 $0x2;
	s2 =	simm.s32 $0x3  }
0x3e: {  	[tilespmem:s24], [sflag:$0x2] =	stream.indirect_vreg.gather [hbm4b:s8+s3], $0x80, v4, vm0, $0xb8;
	[tilespmem:$0xD000] =	vst v63  }
0x3f: {  	s12 =	simm.s32 $0x6;
	s13 =	simm.s32 $0x0;
	s18 =	simm.s32 $0x30  }
0x40: {  	[tilespmem:s25], [sflag:$0x2] =	stream.indirect_vreg.gather [hbm4b:s1+s3], $0x80, v3, vm0, $0xb8;
	[tilespmem:$0xD000] =	vst v63  }
0x41: {  	s19 =	simm.s32 $0x20;
	s20 =	simm.s32 $0x40;
	s21 =	simm.s32 $0x50  }
0x42: {  	[tilespmem:s26], [sflag:$0x2] =	stream.indirect_vreg.gather [hbm4b:s7+s3], $0x80, v3, vm0, $0xb8;
	[tilespmem:$0xD000] =	vst v63  }
0x43: {  	s22 =	simm.s32 $0x4;
	s25 =	simm.s32 $0x0;
	s26 =	simm.s32 $0x2  }
0x44: {  	[tilespmem:s31], [sflag:$0x2] =	stream.indirect_vreg.gather [hbm4b:s8+s3], $0x80, v3, vm0, $0xb8;
	[tilespmem:$0xD000] =	vst v63  }
.LBB2_2:
0x45: {  	s14 =	smulhi.u32 $0xCCCCCCCD, s13  }
0x46: {  	s15 =	smul.u32 $0xCD, s13  }
0x47: {  	s14 =	sshrl.u32 s14, $0x2  }
0x48: {  	s17 =	sshrl.u32 s15, $0xA;
	s14 =	smul.u32 $0x1FFFFFF6, s14  }
0x49: {  	s17 =	sand.u32 $0x3F, s17  }
0x4a: {  	s24 =	smulhi.u32 $0xCCCCCCCD, s26;
	s17 =	sadd.s32 s17, s5;
	s14 =	sadd.s32 s14, s25  }
0x4b: {  	s17 =	smul.u32 $0xF000, s17;
	s14 =	sand.u32 $0x1FFFFE, s14  }
0x4c: {  	s0 =	simm.s32 $0x1;
	s14 =	smul.u32 $0x1800, s14  }
0x4d: {  	s31 =	simm.s32 $0x1000;
	p0 =	seq.s32 s13, $0x0;
	_ =	swait.ge [sflag:s0], $0x3000  }
0x4e: {  	[sflag:s0] =	ssyncset.done $0x0;
	s9 =	sadd.s32 $0x19A, s15;
	s14 =	sadd.s32 s17, s14  }
0x4f: {  	[sflag:s0] =	ssyncadd.s32 $0xFFFFD000;
	s17 =	sshrl.u32 s24, $0x2;
	s14 =	sshrl.u32 s14, $0x3  }
0x50: {  	s24 =	sshrl.u32 s9, $0xA;
	s6 =	smul.u32 $0x50, s17;
	s14 =	sadd.s32 s4, s14  }
0x51: {  	[hbm4b:s14+s3] =	stream.linear.scatter [tilespmem:s31], [sflag:$0x5], $0x3000, $0x38;
	[tilespmem:$0xD000] =	vst v63  }
0x52: {  	s0 =	simm.s32 @!p0 $0x7;
	s24 =	sand.u32 $0x3F, s24;
	s14 =	ssub.s32 s19, s6  }
0x53: {  	s31 =	sshll.u32 s24, $0x7;
	_ =	swait.ge @!p0 [sflag:s0], $0x3000;
	s23 =	sand.u32 $0xFFFFFF80, s14  }
0x54: {  	s14 =	sand.u32 $0x70, s14;
	[sflag:s0] =	ssyncset.done @!p0 $0x0;
	s23 =	sadd.s32 s23, s31  }
0x55: {  	[sflag:s0] =	ssyncadd.s32 @!p0 $0xFFFFD000;
	s14 =	sor.u32 s14, s23  }
0x56: {  	v3 =	vld [tilespmem:s14+$0x0];
	_ =	sdelay $0x4  }
0x57: {  	v4 =	vshrl.u32 v3, $0x3  }
0x58: {  	v4 =	vmul.u32 $0x30, v4  }
0x59: {  	v3 =	vand.u32 $0x7, v3  }
0x5a: {  	v3 =	vor.u32 v3, v4  }
0x5b: {  	v4 =	vperm.xlane v3, v0;
	_ =	sdelay $0x1  }
0x5c: {  	v4 =	vadd.s32 v1, v4;
	_ =	sdelay $0x1  }
0x5d: {  	s14 =	smulhi.u32 $0xCCCCCCCD, s29;
	_ =	sdelay $0x1  }
0x5e: {  	s9 =	simm.s32 $0x7000;
	s0 =	sshrl.u32 s14, $0x2  }
0x5f: {  	v3 =	vperm.xlane v3, v2;
	[tilespmem:s9], [sflag:$0x3] =	stream.indirect_vreg.gather [hbm4b:s1+s3], $0x80, v4, vm0, $0xb8;
	[tilespmem:$0xD000] =	vst v63  }
0x60: {  	s23 =	simm.s32 $0x7800;
	s0 =	smul.u32 $0x1FFFFFF6, s0  }
0x61: {  	v3 =	vadd.s32 v1, v3;
	[tilespmem:s23], [sflag:$0x3] =	stream.indirect_vreg.gather [hbm4b:s7+s3], $0x80, v4, vm0, $0xb8;
	[tilespmem:$0xD000] =	vst v63  }
0x62: {  	s23 =	sadd.s32 $0xCD, s15  }
0x63: {  	s31 =	simm.s32 $0x8000;
	s0 =	sadd.s32 s0, s30;
	s14 =	sshrl.u32 s23, $0xA  }
0x64: {  	[tilespmem:s31], [sflag:$0x3] =	stream.indirect_vreg.gather [hbm4b:s8+s3], $0x80, v4, vm0, $0xb8;
	[tilespmem:$0xD000] =	vst v63  }
0x65: {  	s6 =	simm.s32 $0x8800;
	s0 =	sand.u32 $0x1FFFFE, s0;
	s14 =	sand.u32 $0x3F, s14  }
0x66: {  	[tilespmem:s6], [sflag:$0x3] =	stream.indirect_vreg.gather [hbm4b:s1+s3], $0x80, v3, vm0, $0xb8;
	[tilespmem:$0xD000] =	vst v63  }
0x67: {  	s0 =	smul.u32 $0x1800, s0;
	s14 =	sadd.s32 s14, s5;
	s6 =	simm.s32 $0x9000  }
0x68: {  	[tilespmem:s6], [sflag:$0x3] =	stream.indirect_vreg.gather [hbm4b:s7+s3], $0x80, v3, vm0, $0xb8;
	[tilespmem:$0xD000] =	vst v63  }
0x69: {  	s31 =	simm.s32 $0x9800;
	s14 =	smul.u32 $0xF000, s14  }
0x6a: {  	[tilespmem:s31], [sflag:$0x3] =	stream.indirect_vreg.gather [hbm4b:s8+s3], $0x80, v3, vm0, $0xb8;
	[tilespmem:$0xD000] =	vst v63  }
0x6b: {  	s15 =	sadd.s32 $0x267, s15;
	s6 =	smulhi.u32 $0xCCCCCCCD, s2;
	s31 =	simm.s32 $0x2  }
0x6c: {  	s15 =	sshrl.u32 s15, $0xA;
	s0 =	sadd.s32 s14, s0;
	_ =	swait.ge [sflag:s31], $0x3000  }
0x6d: {  	s0 =	sshrl.u32 s0, $0x3;
	s14 =	sshrl.u32 s6, $0x2;
	[sflag:s31] =	ssyncset.done $0x0  }
0x6e: {  	s0 =	sadd.s32 s4, s0;
	s23 =	smul.u32 $0x50, s14;
	[sflag:s31] =	ssyncadd.s32 $0xFFFFD000  }
0x6f: {  	[hbm4b:s0+s3] =	stream.linear.scatter [tilespmem:s16], [sflag:$0x6], $0x3000, $0x38;
	[tilespmem:$0xD000] =	vst v63  }
0x70: {  	s15 =	sand.u32 $0x3F, s15;
	s0 =	ssub.s32 s18, s23;
	s23 =	simm.s32 @!p0 $0x8  }
0x71: {  	s16 =	sshll.u32 s15, $0x7;
	_ =	swait.ge @!p0 [sflag:s23], $0x3000;
	s31 =	sand.u32 $0xFFFFFF80, s0  }
0x72: {  	s0 =	sand.u32 $0x70, s0;
	s16 =	sadd.s32 s31, s16;
	[sflag:s23] =	ssyncset.done @!p0 $0x0  }
0x73: {  	[sflag:s23] =	ssyncadd.s32 @!p0 $0xFFFFD000;
	s0 =	sor.u32 s0, s16  }
0x74: {  	v3 =	vld [tilespmem:s0+$0x0];
	_ =	sdelay $0x4  }
0x75: {  	v63 =	vshrl.u32 v3, $0x3  }
0x76: {  	v4 =	vmul.u32 $0x30, v63  }
0x77: {  	v3 =	vand.u32 $0x7, v3  }
0x78: {  	v3 =	vor.u32 v3, v4  }
0x79: {  	v4 =	vperm.xlane v3, v0;
	_ =	sdelay $0x1  }
0x7a: {  	v4 =	vadd.s32 v1, v4;
	_ =	sdelay $0x3  }
0x7b: {  	s23 =	simm.s32 $0xA000;
	v3 =	vperm.xlane v3, v2  }
0x7c: {  	[tilespmem:s23], [sflag:$0x4] =	stream.indirect_vreg.gather [hbm4b:s1+s3], $0x80, v4, vm0, $0xb8;
	[tilespmem:$0xD000] =	vst v63  }
0x7d: {  	s31 =	simm.s32 $0xA800;
	v3 =	vadd.s32 v1, v3  }
0x7e: {  	[tilespmem:s31], [sflag:$0x4] =	stream.indirect_vreg.gather [hbm4b:s7+s3], $0x80, v4, vm0, $0xb8;
	[tilespmem:$0xD000] =	vst v63  }
0x7f: {  	s16 =	simm.s32 $0xB000  }
0x80: {  	[tilespmem:s16], [sflag:$0x4] =	stream.indirect_vreg.gather [hbm4b:s8+s3], $0x80, v4, vm0, $0xb8;
	[tilespmem:$0xD000] =	vst v63  }
0x81: {  	s31 =	simm.s32 $0xB800  }
0x82: {  	[tilespmem:s31], [sflag:$0x4] =	stream.indirect_vreg.gather [hbm4b:s1+s3], $0x80, v3, vm0, $0xb8;
	[tilespmem:$0xD000] =	vst v63  }
0x83: {  	s24 =	sadd.s32 s24, s5;
	s16 =	simm.s32 $0xC000;
	s31 =	smul.u32 $0x1FFFFFF6, s17  }
0x84: {  	[tilespmem:s16], [sflag:$0x4] =	stream.indirect_vreg.gather [hbm4b:s7+s3], $0x80, v3, vm0, $0xb8;
	[tilespmem:$0xD000] =	vst v63  }
0x85: {  	s17 =	simm.s32 $0xC800;
	s0 =	sadd.s32 s31, s28;
	s31 =	smulhi.u32 $0xCCCCCCCD, s22  }
0x86: {  	[tilespmem:s17], [sflag:$0x4] =	stream.indirect_vreg.gather [hbm4b:s8+s3], $0x80, v3, vm0, $0xb8;
	[tilespmem:$0xD000] =	vst v63  }
0x87: {  	s0 =	sand.u32 $0x1FFFFE, s0;
	s17 =	smul.u32 $0xF000, s24  }
0x88: {  	s16 =	sshrl.u32 s31, $0x2;
	s0 =	smul.u32 $0x1800, s0  }
0x89: {  	p0 =	seq.s32 s13, $0x9C;
	s31 =	simm.s32 $0x3;
	s16 =	smul.u32 $0x50, s16  }
0x8a: {  	_ =	swait.ge [sflag:s31], $0x3000;
	s0 =	sadd.s32 s17, s0;
	s17 =	sadd.s32 @!p0 $0x4, s13  }
0x8b: {  	[sflag:s31] =	ssyncset.done $0x0;
	s0 =	sshrl.u32 s0, $0x3;
	s17 =	sand.u32 @!p0 $0xFF, s17  }
0x8c: {  	[sflag:s31] =	ssyncadd.s32 $0xFFFFD000;
	s0 =	sadd.s32 s4, s0;
	s17 =	smul.u32 @!p0 $0xCD, s17  }
0x8d: {  	[hbm4b:s0+s3] =	stream.linear.scatter [tilespmem:s9], [sflag:$0x7], $0x3000, $0x38;
	[tilespmem:$0xD000] =	vst v63  }
0x8e: {  	s31 =	simm.s32 $0x5;
	s0 =	ssub.s32 s20, s16;
	s16 =	sshrl.u32 @!p0 s17, $0x3  }
0x8f: {  	_ =	swait.ge [sflag:s31], $0x3000;
	s17 =	sand.u32 @!p0 $0xFFFFFF80, s0;
	s16 =	sand.u32 @!p0 $0x1F80, s16  }
0x90: {  	s0 =	sand.u32 @!p0 $0x70, s0;
	[sflag:s31] =	ssyncset.done $0x0;
	s16 =	sadd.s32 @!p0 s17, s16  }
0x91: {  	[sflag:s31] =	ssyncadd.s32 $0xFFFFD000;
	s0 =	sor.u32 @!p0 s0, s16  }
0x92: {  	v3 =	vld @!p0 [tilespmem:s0+$0x0];
	_ =	sdelay $0x4  }
0x93: {  	v4 =	vshrl.u32 @!p0 v3, $0x3  }
0x94: {  	v4 =	vmul.u32 @!p0 $0x30, v4  }
0x95: {  	v5 =	vlaneseq.u32 @!p0;
	v3 =	vand.u32 @!p0 $0x7, v3  }
0x96: {  	v6 =	vshrl.u32 @!p0 v5, $0x3;
	v3 =	vor.u32 @!p0 v3, v4;
	v4 =	vand.u32 @!p0 $0x7, v5  }
0x97: {  	v6 =	vmul.u32 @!p0 $0x8, v6;
	v4 =	vperm.xlane @!p0 v3, v4;
	_ =	sdelay $0x1  }
0x98: {  	v4 =	vadd.s32 @!p0 v6, v4;
	_ =	sdelay $0x2  }
0x99: {  	v5 =	vor.u32 @!p0 $0x8, v5  }
0x9a: {  	vm1 =	vmmov @!p0 $0xffff;
	s16 =	simm.s32 @!p0 $0x1000;
	s0 =	simm.s32 @!p0 $0x0;
	v3 =	vperm.xlane @!p0 v3, v5  }
0x9b: {  	[tilespmem:s16], [sflag:$0x1] =	stream.indirect_vreg.gather @!p0 [hbm4b:s1+s0], $0x80, v4, vm1, $0xb8;
	[tilespmem:$0xD000] =	vst v63  }
0x9c: {  	v3 =	vadd.s32 @!p0 v6, v3;
	s16 =	simm.s32 @!p0 $0x1800  }
0x9d: {  	[tilespmem:s16], [sflag:$0x1] =	stream.indirect_vreg.gather @!p0 [hbm4b:s7+s0], $0x80, v4, vm1, $0xb8;
	[tilespmem:$0xD000] =	vst v63  }
0x9e: {  	s14 =	smul.u32 $0x1FFFFFF6, s14;
	s16 =	simm.s32 @!p0 $0x2000  }
0x9f: {  	[tilespmem:s16], [sflag:$0x1] =	stream.indirect_vreg.gather @!p0 [hbm4b:s8+s0], $0x80, v4, vm1, $0xb8;
	[tilespmem:$0xD000] =	vst v63  }
0xa0: {  	s14 =	sadd.s32 s14, s12;
	s15 =	sadd.s32 s15, s5;
	s16 =	simm.s32 @!p0 $0x2800  }
0xa1: {  	[tilespmem:s16], [sflag:$0x1] =	stream.indirect_vreg.gather @!p0 [hbm4b:s1+s0], $0x80, v3, vm1, $0xb8;
	[tilespmem:$0xD000] =	vst v63  }
0xa2: {  	s14 =	sand.u32 $0x1FFFFE, s14;
	s15 =	smul.u32 $0xF000, s15;
	s16 =	simm.s32 @!p0 $0x3000  }
0xa3: {  	[tilespmem:s16], [sflag:$0x1] =	stream.indirect_vreg.gather @!p0 [hbm4b:s7+s0], $0x80, v3, vm1, $0xb8;
	[tilespmem:$0xD000] =	vst v63  }
0xa4: {  	s14 =	smul.u32 $0x1800, s14;
	s31 =	simm.s32 $0x4;
	s16 =	simm.s32 @!p0 $0x3800  }
0xa5: {  	[tilespmem:s16], [sflag:$0x1] =	stream.indirect_vreg.gather @!p0 [hbm4b:s8+s0], $0x80, v3, vm1, $0xb8;
	[tilespmem:$0xD000] =	vst v63  }
0xa6: {  	s24 =	sadd.s32 s15, s14;
	_ =	swait.ge [sflag:s31], $0x3000  }
0xa7: {  	s0 =	sshrl.u32 s24, $0x3;
	[sflag:s31] =	ssyncset.done $0x0  }
.Ltmp2:
0xa8: {  	s0 =	sadd.s32 s4, s0;
	[sflag:s31] =	ssyncadd.s32 $0xFFFFD000;
	(pc) =	sbr.rel @p0 .LBB2_4-.Ltmp2, $4  }
0xa9: {  	[hbm4b:s0+s3] =	stream.linear.scatter [tilespmem:s23], [sflag:$0x8], $0x3000, $0x38;
	[tilespmem:$0xD000] =	vst v63  }
0xaa: {  	_ =	swait.ge [sflag:s10], $0x3000  }
0xab: {  	[sflag:s10] =	ssyncset.done $0x0  }
0xac: {  	s6 =	simm.s32 $0x4000;
	[sflag:s10] =	ssyncadd.s32 $0xFFFFD000  }
0xad: {  	s0 =	smulhi.u32 $0xCCCCCCCD, s11;
	s14 =	sadd.s32 $0x5, s13  }
0xae: {  	s14 =	sand.u32 $0xFF, s14  }
0xaf: {  	s0 =	sshrl.u32 s0, $0x2;
	s14 =	smul.u32 $0xCD, s14  }
0xb0: {  	s0 =	smul.u32 $0x50, s0;
	_ =	sdelay $0x1  }
0xb1: {  	s14 =	sshrl.u32 s14, $0x3;
	s0 =	ssub.s32 s21, s0  }
0xb2: {  	s14 =	sand.u32 $0x1F80, s14;
	s15 =	sand.u32 $0xFFFFFF80, s0  }
0xb3: {  	s0 =	sand.u32 $0x70, s0;
	s14 =	sadd.s32 s15, s14  }
0xb4: {  	s0 =	sor.u32 s0, s14  }
0xb5: {  	v3 =	vld [tilespmem:s0+$0x0];
	_ =	sdelay $0x4  }
0xb6: {  	v4 =	vshrl.u32 v3, $0x3  }
0xb7: {  	v4 =	vmul.u32 $0x30, v4  }
0xb8: {  	v3 =	vand.u32 $0x7, v3  }
0xb9: {  	v3 =	vor.u32 v3, v4  }
0xba: {  	v4 =	vperm.xlane v3, v0;
	_ =	sdelay $0x1  }
0xbb: {  	v4 =	vadd.s32 v1, v4;
	_ =	sdelay $0x3  }
0xbc: {  	s16 =	simm.s32 $0x4800;
	s17 =	simm.s32 $0x5000;
	s23 =	simm.s32 $0x5800;
	v3 =	vperm.xlane v3, v2  }
0xbd: {  	[tilespmem:s6], [sflag:$0x2] =	stream.indirect_vreg.gather [hbm4b:s1+s3], $0x80, v4, vm0, $0xb8;
	[tilespmem:$0xD000] =	vst v63  }
0xbe: {  	s24 =	simm.s32 $0x6000;
	s31 =	simm.s32 $0x6800;
	s13 =	sadd.s32 $0x4, s13;
	v3 =	vadd.s32 v1, v3  }
0xbf: {  	[tilespmem:s16], [sflag:$0x2] =	stream.indirect_vreg.gather [hbm4b:s7+s3], $0x80, v4, vm0, $0xb8;
	[tilespmem:$0xD000] =	vst v63  }
0xc0: {  	s12 =	sadd.s32 $0x8, s12;
	s2 =	sadd.s32 $0x4, s2;
	s18 =	sadd.s32 $0x40, s18  }
0xc1: {  	[tilespmem:s17], [sflag:$0x2] =	stream.indirect_vreg.gather [hbm4b:s8+s3], $0x80, v4, vm0, $0xb8;
	[tilespmem:$0xD000] =	vst v63  }
0xc2: {  	s30 =	sadd.s32 $0x8, s30;
	s29 =	sadd.s32 $0x4, s29;
	s28 =	sadd.s32 $0x8, s28  }
0xc3: {  	[tilespmem:s23], [sflag:$0x2] =	stream.indirect_vreg.gather [hbm4b:s1+s3], $0x80, v3, vm0, $0xb8;
	[tilespmem:$0xD000] =	vst v63  }
.Ltmp3:
0xc4: {  	s26 =	sadd.s32 $0x4, s26;
	s19 =	sadd.s32 $0x40, s19;
	(pc) =	sbr.rel .LBB2_2-.Ltmp3, $4  }
0xc5: {  	s25 =	sadd.s32 $0x8, s25;
	s20 =	sadd.s32 $0x40, s20;
	s22 =	sadd.s32 $0x4, s22  }
0xc6: {  	[tilespmem:s24], [sflag:$0x2] =	stream.indirect_vreg.gather [hbm4b:s7+s3], $0x80, v3, vm0, $0xb8;
	[tilespmem:$0xD000] =	vst v63  }
0xc7: {  	s11 =	sadd.s32 $0x4, s11;
	s21 =	sadd.s32 $0x40, s21;
	s16 =	simm.s32 $0x4000  }
0xc8: {  	[tilespmem:s31], [sflag:$0x2] =	stream.indirect_vreg.gather [hbm4b:s8+s3], $0x80, v3, vm0, $0xb8;
	[tilespmem:$0xD000] =	vst v63  }
.LBB2_5:
0xc9: {  	_ =	sfence.sel $0x180000  }
0xca: {  	[bflag:$0x0] =	sbarrier.arrive $0xFFFF  }
0xcb: {  	_ =	strace $0x90000047  }
0xcc: {  	s0 =	stileid.u32;
	[bflag:$0x2] =	sbarrier.arrive $0xFFFF  }
0xcd: {  	p0 =	sne.s32 s0, $0x0;
	s0 =	rddreg [dreg:$0x3]  }
0xce: {  	s0 =	sadd.s32 @!p0 $0x100000, s0  }
0xcf: {  	[sflag:s0] =	ssyncadd.tile.s32 @!p0 $0x1;
	_ =	shalt  }
.Lfunc_end2:
_tile_overlayer_lowered:
.L_overlay_start_2:
0xd0: {  	(tag) =	ssettag $0x2  }
0xd1: {  	s0 =	rddreg [dreg:$0x0];
	s2 =	stileid.u32  }
0xd2: {  	s1 =	rddreg [dreg:$0x1];
	p0 =	sne.s32 s2, $0x0  }
0xd3: {  	s3 =	rddreg [dreg:$0x2];
	[bflag:$0x3] =	sbarrier.arrive $0xFFFF;
	s2 =	simm.s32 @!p0 $0x1C09  }
0xd4: {  	[timem:s3], [sflag:s2] =	dma.local @!p0 [hbm:s0], s1  }
0xd5: {  	s0 =	simm.s32 @!p0 $0x9  }
0xd6: {  	_ =	swait.ge @!p0 [sflag:s0], s1  }
0xd7: {  	s1 =	ssub.s32 @!p0 $0x0, s1;
	[sflag:s0] =	ssyncset.done @!p0 $0x0  }
0xd8: {  	[sflag:s0] =	ssyncadd.s32 @!p0 s1  }
0xd9: {  	[bflag:$0x3] =	sbarrier.arrive $0xFFFF  }
0xda: {  	_ =	shalt  }

</sc_bundles>
